<compile_context>
chip_gen: v7x
topology: tpu7x:2x2x1
jax: 0.10.2.dev20260603
libtpu: 0.0.44.dev20260713+nightly
codegen_flags: <defaults>
</compile_context>

<pallas_src>
import functools

import jax
import jax.numpy as jnp
from jax import lax
from jax.experimental import pallas as pl
from jax.experimental.pallas import tpu as pltpu
from jax.experimental.pallas import tpu_sc as plsc

NN = 10000
NE = 320000
NC = 2
NS = 16
NW = NC * NS
CHUNK = 192
NCHUNKS = 1728
NE_PAD = NCHUNKS * CHUNK
KPW = NCHUNKS // NW
ACC_ROWS = 10240
RPS = ACC_ROWS // NS
W1A = 64
W2A = 16
DEGC = 576
DKPW = NE_PAD // (NW * DEGC)

_mesh = plsc.VectorSubcoreMesh(core_axis_name="c", subcore_axis_name="s")


def _make_sc_segsum(width):

    @functools.partial(
        pl.kernel,
        mesh=_mesh,
        compiler_params=pltpu.CompilerParams(use_tc_tiling_on_sc=False),
        out_type=jax.ShapeDtypeStruct((NC, ACC_ROWS, width), jnp.float32),
        scratch_types=[
            pltpu.VMEM((KPW, CHUNK), jnp.int32),
            pltpu.VMEM((KPW, CHUNK), jnp.int32),
            pltpu.VMEM((CHUNK, width), jnp.float32),
            pltpu.VMEM((CHUNK, width), jnp.float32),
            pltpu.VMEM_SHARED((ACC_ROWS, width), jnp.float32),
            pltpu.VMEM_SHARED((NN, width), jnp.float32),
            pltpu.SemaphoreType.DMA,
            pltpu.SemaphoreType.DMA,
        ],
    )
    def segsum(table_hbm, src_hbm, dst_hbm, zero_hbm, out_hbm,
               idx_s, idx_d, rows0, rows1, acc, tab, gsem0, gsem1):
        c = lax.axis_index("c")
        s = lax.axis_index("s")
        wid = c * NS + s
        base = s * RPS
        pltpu.sync_copy(zero_hbm, acc.at[pl.ds(base, RPS)])
        pltpu.sync_copy(table_hbm.at[pl.ds(s * (NN // NS), NN // NS)],
                        tab.at[pl.ds(s * (NN // NS), NN // NS)])
        pltpu.sync_copy(src_hbm.at[pl.ds(wid * KPW, KPW)], idx_s)
        pltpu.sync_copy(dst_hbm.at[pl.ds(wid * KPW, KPW)], idx_d)
        plsc.subcore_barrier()

        pltpu.async_copy(tab.at[idx_s.at[0]], rows0, gsem0)

        @pl.loop(0, KPW, step=2)
        def _(j):
            pltpu.async_copy(tab.at[idx_s.at[j + 1]], rows1, gsem1)
            pltpu.make_async_copy(tab.at[idx_s.at[j]], rows0, gsem0
                                  ).wait()
            pltpu.sync_copy(rows0, acc.at[idx_d.at[j]], add=True)

            @pl.when(j + 2 < KPW)
            def _():
                pltpu.async_copy(tab.at[idx_s.at[j + 2]], rows0, gsem0)

            pltpu.make_async_copy(tab.at[idx_s.at[j + 1]], rows1,
                                  gsem1).wait()
            pltpu.sync_copy(rows1, acc.at[idx_d.at[j + 1]], add=True)

        plsc.subcore_barrier()
        pltpu.sync_copy(acc.at[pl.ds(base, RPS)],
                        out_hbm.at[c].at[pl.ds(base, RPS)])

    return segsum


_sc_segsum_l1 = _make_sc_segsum(W1A)
_sc_segsum_l2 = _make_sc_segsum(W2A)


@functools.partial(
    pl.kernel,
    mesh=_mesh,
    compiler_params=pltpu.CompilerParams(use_tc_tiling_on_sc=False),
    out_type=jax.ShapeDtypeStruct((NC, ACC_ROWS, W2A), jnp.float32),
    scratch_types=[
        pltpu.VMEM((DKPW, DEGC), jnp.int32),
        pltpu.VMEM((DEGC, W2A), jnp.float32),
        pltpu.VMEM_SHARED((ACC_ROWS, W2A), jnp.float32),
    ],
)
def _sc_degree(dst_hbm, ones_hbm, zero_hbm, out_hbm, idx_d, ones, acc):
    c = lax.axis_index("c")
    s = lax.axis_index("s")
    wid = c * NS + s
    base = s * RPS
    pltpu.sync_copy(zero_hbm, acc.at[pl.ds(base, RPS)])
    pltpu.sync_copy(ones_hbm, ones)
    pltpu.sync_copy(dst_hbm.at[wid], idx_d)
    plsc.subcore_barrier()

    @pl.loop(0, DKPW)
    def _(j):
        pltpu.sync_copy(ones, acc.at[idx_d.at[j]], add=True)

    plsc.subcore_barrier()
    pltpu.sync_copy(acc.at[pl.ds(base, RPS)],
                    out_hbm.at[c].at[pl.ds(base, RPS)])


def _tc1_body(x_ref, w_ref, y1_ref, xr_ref):
    z = jnp.dot(x_ref[...], w_ref[...], preferred_element_type=jnp.float32)
    y1_ref[...] = z[:, :W1A]
    xr_ref[...] = z[:, W1A:]


def _tc2_body(acc_ref, deg_ref, xr_ref, b1_ref, w2l_ref, w2r_ref,
              y2_ref, hr_ref, inv_ref):
    feat = acc_ref[0, :NN, :] + acc_ref[1, :NN, :]
    deg = deg_ref[0, :NN, :1] + deg_ref[1, :NN, :1]
    inv = 1.0 / jnp.maximum(deg, 1.0)
    h = jnp.maximum(feat * inv + b1_ref[...] + xr_ref[...], 0.0)
    y2_ref[...] = jnp.dot(h, w2l_ref[...], preferred_element_type=jnp.float32)
    hr_ref[...] = jnp.dot(h, w2r_ref[...], preferred_element_type=jnp.float32)
    inv_ref[...] = jnp.broadcast_to(inv, (NN, W2A))


def _tc3_body(acc_ref, inv_ref, hr_ref, b2_ref, out_ref):
    ssum = acc_ref[0, :NN, :] + acc_ref[1, :NN, :]
    out_ref[...] = ssum * inv_ref[...] + hr_ref[...] + b2_ref[...]


def kernel(x, edge_index, W1l, b1, W1r, W2l, b2, W2r):
    src = edge_index[0].astype(jnp.int32)
    dst = edge_index[1].astype(jnp.int32)
    pad = NE_PAD - NE
    srcp = jnp.concatenate([src, jnp.zeros((pad,), jnp.int32)]
                           ).reshape(NCHUNKS, CHUNK)
    trash = NN + jnp.arange(pad, dtype=jnp.int32) % (ACC_ROWS - NN)
    dstp = jnp.concatenate([dst, trash]).reshape(NCHUNKS, CHUNK)
    dstf = dstp.reshape(NW, DKPW, DEGC)
    z1 = jnp.zeros((RPS, W1A), jnp.float32)
    z2 = jnp.zeros((RPS, W2A), jnp.float32)
    w1cat = jnp.concatenate([W1l, W1r], axis=1)
    onehot = jnp.zeros((DEGC, W2A), jnp.float32).at[:, 0].set(1.0)
    w2l_p = jnp.pad(W2l, ((0, 0), (0, W2A - 2)))
    w2r_p = jnp.pad(W2r, ((0, 0), (0, W2A - 2)))
    b1r = jnp.reshape(b1, (1, 64))
    b2r = jnp.reshape(jnp.pad(b2, (0, W2A - 2)), (1, W2A))

    degacc = _sc_degree(dstf, onehot, z2)

    y1, xr = pl.pallas_call(
        _tc1_body,
        out_shape=[jax.ShapeDtypeStruct((NN, W1A), jnp.float32),
                   jax.ShapeDtypeStruct((NN, 64), jnp.float32)],
    )(x, w1cat)

    acc1 = _sc_segsum_l1(y1, srcp, dstp, z1)

    y2p, hr, inv = pl.pallas_call(
        _tc2_body,
        out_shape=[jax.ShapeDtypeStruct((NN, W2A), jnp.float32),
                   jax.ShapeDtypeStruct((NN, W2A), jnp.float32),
                   jax.ShapeDtypeStruct((NN, W2A), jnp.float32)],
    )(acc1, degacc, xr, b1r, w2l_p, w2r_p)

    acc2 = _sc_segsum_l2(y2p, srcp, dstp, z2)

    out16 = pl.pallas_call(
        _tc3_body,
        out_shape=jax.ShapeDtypeStruct((NN, W2A), jnp.float32),
    )(acc2, inv, hr, b2r)

    return out16[:, :2]

# --- scband reference (transcript-rebuilt; emitter-appended) ---
"""Pipeline reference for scband-graph-sage-16965120819652 (READ-ONLY COPY).

The authoritative reference and input builder live on the scoring server;
editing this copy changes nothing except your own understanding.
"""

import jax, jax.numpy as jnp
import numpy as np

N_NODES = 10000
N_EDGES = 320000
D_IN = 128
D_HID = 64
D_OUT = 2


def setup_inputs(seed: int = 0) -> dict:
    key = jax.random.key(seed)
    ks = jax.random.split(key, 10)
    x = jax.random.normal(ks[0], (N_NODES, D_IN), dtype=jnp.float32)
    edge_index = jax.random.randint(ks[1], (2, N_EDGES), 0, N_NODES, dtype=jnp.int64)
    # SAGEConv layer 1 params (lin_l has bias; lin_r no bias, matching PyG defaults)
    W1l = jax.random.normal(ks[2], (D_IN, D_HID), dtype=jnp.float32) * (1.0 / np.sqrt(D_IN))
    b1 = jnp.zeros((D_HID,), dtype=jnp.float32)
    W1r = jax.random.normal(ks[3], (D_IN, D_HID), dtype=jnp.float32) * (1.0 / np.sqrt(D_IN))
    # SAGEConv layer 2 params
    W2l = jax.random.normal(ks[4], (D_HID, D_OUT), dtype=jnp.float32) * (1.0 / np.sqrt(D_HID))
    b2 = jnp.zeros((D_OUT,), dtype=jnp.float32)
    W2r = jax.random.normal(ks[5], (D_HID, D_OUT), dtype=jnp.float32) * (1.0 / np.sqrt(D_HID))
    return {"x": x, "edge_index": edge_index, "W1l": W1l, "b1": b1, "W1r": W1r,
            "W2l": W2l, "b2": b2, "W2r": W2r}


def _sage_conv(x, edge_index, Wl, bl, Wr, n_nodes):
    src = edge_index[0]
    dst = edge_index[1]
    # gather messages from source nodes
    msgs = jnp.take(x, src, axis=0)
    # mean aggregation over incoming edges at dst
    agg_sum = jax.ops.segment_sum(msgs, dst, num_segments=n_nodes)
    deg = jax.ops.segment_sum(jnp.ones((src.shape[0],), dtype=x.dtype), dst, num_segments=n_nodes)
    agg = agg_sum / jnp.maximum(deg, 1.0)[:, None]
    return agg @ Wl + bl + x @ Wr


def reference(x, edge_index, W1l, b1, W1r, W2l, b2, W2r):
    h = _sage_conv(x, edge_index, W1l, b1, W1r, N_NODES)
    h = jax.nn.relu(h)
    out = _sage_conv(h, edge_index, W2l, b2, W2r, N_NODES)
    return out

if __name__ == "__main__":
    import jax
    _d = setup_inputs()
    print(jax.jit(kernel)(*tuple(_d.values())))

</pallas_src>

<mosaic_0001>
#map = affine_map<(d0, d1) -> (0, 0)>
#map1 = affine_map<(d0, d1) -> (0, 0, 0)>
module attributes {stable_mosaic.version = 14 : i64} {
  func.func @segsum(%arg0: i32, %arg1: i32, %arg2: memref<10000x64xf32, #tpu.memory_space<hbm>>, %arg3: memref<1728x192xi32, #tpu.memory_space<hbm>>, %arg4: memref<1728x192xi32, #tpu.memory_space<hbm>>, %arg5: memref<640x64xf32, #tpu.memory_space<hbm>>, %arg6: memref<2x10240x64xf32, #tpu.memory_space<hbm>>, %arg7: memref<54x192xi32, #tpu.memory_space<vmem>>, %arg8: memref<54x192xi32, #tpu.memory_space<vmem>>, %arg9: memref<192x64xf32, #tpu.memory_space<vmem>>, %arg10: memref<192x64xf32, #tpu.memory_space<vmem>>, %arg11: memref<10240x64xf32, #tpu.memory_space<vmem_shared>>, %arg12: memref<10000x64xf32, #tpu.memory_space<vmem_shared>>, %arg13: memref<!tpu.dma_semaphore, #tpu.memory_space<semaphore_mem>>, %arg14: memref<!tpu.dma_semaphore, #tpu.memory_space<semaphore_mem>>) attributes {dimension_semantics = [#tpu.dimension_semantics<core_parallel>, #tpu.dimension_semantics<subcore_parallel>], iteration_bounds = array<i64: 2, 16>, scalar_prefetch = 0 : i64, scratch_operands = 8 : i64, tpu.core_type = #tpu.core_type<sc_vector_subcore>, window_params = [{transform_indices = #map}, {transform_indices = #map}, {transform_indices = #map}, {transform_indices = #map}, {transform_indices = #map1}]} {
    %mul3A = arith.constant 16 : i32
    %mul3A_0 = arith.muli %arg0, %mul3A : i32
    %add3A = arith.addi %mul3A_0, %arg1 : i32
    %mul3A_1 = arith.constant 640 : i32
    %mul3A_2 = arith.muli %arg1, %mul3A_1 : i32
    "tpu.region"() ({
      %run_scoped3A = tpu.sem_alloc : memref<!tpu.dma_semaphore, #tpu.memory_space<semaphore_mem>>
      %dma_start3A_22 = arith.constant 0 : i32
      %dma_start3A_23 = tpu.memref_slice %arg11[%mul3A_2, %dma_start3A_22] : memref<10240x64xf32, #tpu.memory_space<vmem_shared>> -> memref<640x64xf32, #tpu.memory_space<vmem_shared>>
      tpu.enqueue_dma source(%arg5 : memref<640x64xf32, #tpu.memory_space<hbm>>) target(%dma_start3A_23 : memref<640x64xf32, #tpu.memory_space<vmem_shared>>) target_semaphore(%run_scoped3A : memref<!tpu.dma_semaphore, #tpu.memory_space<semaphore_mem>>)
      %dma_wait3A = arith.constant 0 : i32
      %dma_wait3A_24 = tpu.memref_slice %arg11[%mul3A_2, %dma_wait3A] : memref<10240x64xf32, #tpu.memory_space<vmem_shared>> -> memref<640x64xf32, #tpu.memory_space<vmem_shared>>
      tpu.wait_dma2 semaphore(%run_scoped3A : memref<!tpu.dma_semaphore, #tpu.memory_space<semaphore_mem>>) src(%arg5 : memref<640x64xf32, #tpu.memory_space<hbm>>) dst(%dma_wait3A_24 : memref<640x64xf32, #tpu.memory_space<vmem_shared>>)
      tpu.yield
    }) : () -> ()
    %mul3A_3 = arith.constant 625 : i32
    %mul3A_4 = arith.muli %arg1, %mul3A_3 : i32
    %mul3A_5 = arith.constant 625 : i32
    %mul3A_6 = arith.muli %arg1, %mul3A_5 : i32
    "tpu.region"() ({
      %run_scoped3A = tpu.sem_alloc : memref<!tpu.dma_semaphore, #tpu.memory_space<semaphore_mem>>
      %dma_start3A_22 = arith.constant 0 : i32
      %dma_start3A_23 = tpu.memref_slice %arg12[%mul3A_6, %dma_start3A_22] : memref<10000x64xf32, #tpu.memory_space<vmem_shared>> -> memref<625x64xf32, #tpu.memory_space<vmem_shared>>
      %dma_start3A_24 = arith.constant 0 : i32
      %dma_start3A_25 = tpu.memref_slice %arg2[%mul3A_4, %dma_start3A_24] : memref<10000x64xf32, #tpu.memory_space<hbm>> -> memref<625x64xf32, #tpu.memory_space<hbm>>
      tpu.enqueue_dma source(%dma_start3A_25 : memref<625x64xf32, #tpu.memory_space<hbm>>) target(%dma_start3A_23 : memref<625x64xf32, #tpu.memory_space<vmem_shared>>) target_semaphore(%run_scoped3A : memref<!tpu.dma_semaphore, #tpu.memory_space<semaphore_mem>>)
      %dma_wait3A = arith.constant 0 : i32
      %dma_wait3A_26 = tpu.memref_slice %arg12[%mul3A_6, %dma_wait3A] : memref<10000x64xf32, #tpu.memory_space<vmem_shared>> -> memref<625x64xf32, #tpu.memory_space<vmem_shared>>
      %dma_wait3A_27 = arith.constant 0 : i32
      %dma_wait3A_28 = tpu.memref_slice %arg2[%mul3A_4, %dma_wait3A_27] : memref<10000x64xf32, #tpu.memory_space<hbm>> -> memref<625x64xf32, #tpu.memory_space<hbm>>
      tpu.wait_dma2 semaphore(%run_scoped3A : memref<!tpu.dma_semaphore, #tpu.memory_space<semaphore_mem>>) src(%dma_wait3A_28 : memref<625x64xf32, #tpu.memory_space<hbm>>) dst(%dma_wait3A_26 : memref<625x64xf32, #tpu.memory_space<vmem_shared>>)
      tpu.yield
    }) : () -> ()
    %mul3A_7 = arith.constant 54 : i32
    %mul3A_8 = arith.muli %add3A, %mul3A_7 : i32
    "tpu.region"() ({
      %run_scoped3A = tpu.sem_alloc : memref<!tpu.dma_semaphore, #tpu.memory_space<semaphore_mem>>
      %dma_start3A_22 = arith.constant 0 : i32
      %dma_start3A_23 = tpu.memref_slice %arg3[%mul3A_8, %dma_start3A_22] : memref<1728x192xi32, #tpu.memory_space<hbm>> -> memref<54x192xi32, #tpu.memory_space<hbm>>
      %dma_start3A_24 = arith.constant 0 : i32
      %dma_start3A_25 = tpu.memref_slice %arg3[%mul3A_8, %dma_start3A_24] : memref<1728x192xi32, #tpu.memory_space<hbm>> -> memref<54x192xi32, #tpu.memory_space<hbm>>
      tpu.enqueue_dma source(%dma_start3A_25 : memref<54x192xi32, #tpu.memory_space<hbm>>) target(%arg7 : memref<54x192xi32, #tpu.memory_space<vmem>>) target_semaphore(%run_scoped3A : memref<!tpu.dma_semaphore, #tpu.memory_space<semaphore_mem>>)
      %dma_wait3A = arith.constant 0 : i32
      %dma_wait3A_26 = tpu.memref_slice %arg3[%mul3A_8, %dma_wait3A] : memref<1728x192xi32, #tpu.memory_space<hbm>> -> memref<54x192xi32, #tpu.memory_space<hbm>>
      %dma_wait3A_27 = arith.constant 0 : i32
      %dma_wait3A_28 = tpu.memref_slice %arg3[%mul3A_8, %dma_wait3A_27] : memref<1728x192xi32, #tpu.memory_space<hbm>> -> memref<54x192xi32, #tpu.memory_space<hbm>>
      tpu.wait_dma2 semaphore(%run_scoped3A : memref<!tpu.dma_semaphore, #tpu.memory_space<semaphore_mem>>) src(%dma_wait3A_28 : memref<54x192xi32, #tpu.memory_space<hbm>>) dst(%arg7 : memref<54x192xi32, #tpu.memory_space<vmem>>)
      tpu.yield
    }) : () -> ()
    %mul3A_9 = arith.constant 54 : i32
    %mul3A_10 = arith.muli %add3A, %mul3A_9 : i32
    "tpu.region"() ({
      %run_scoped3A = tpu.sem_alloc : memref<!tpu.dma_semaphore, #tpu.memory_space<semaphore_mem>>
      %dma_start3A_22 = arith.constant 0 : i32
      %dma_start3A_23 = tpu.memref_slice %arg4[%mul3A_10, %dma_start3A_22] : memref<1728x192xi32, #tpu.memory_space<hbm>> -> memref<54x192xi32, #tpu.memory_space<hbm>>
      %dma_start3A_24 = arith.constant 0 : i32
      %dma_start3A_25 = tpu.memref_slice %arg4[%mul3A_10, %dma_start3A_24] : memref<1728x192xi32, #tpu.memory_space<hbm>> -> memref<54x192xi32, #tpu.memory_space<hbm>>
      tpu.enqueue_dma source(%dma_start3A_25 : memref<54x192xi32, #tpu.memory_space<hbm>>) target(%arg8 : memref<54x192xi32, #tpu.memory_space<vmem>>) target_semaphore(%run_scoped3A : memref<!tpu.dma_semaphore, #tpu.memory_space<semaphore_mem>>)
      %dma_wait3A = arith.constant 0 : i32
      %dma_wait3A_26 = tpu.memref_slice %arg4[%mul3A_10, %dma_wait3A] : memref<1728x192xi32, #tpu.memory_space<hbm>> -> memref<54x192xi32, #tpu.memory_space<hbm>>
      %dma_wait3A_27 = arith.constant 0 : i32
      %dma_wait3A_28 = tpu.memref_slice %arg4[%mul3A_10, %dma_wait3A_27] : memref<1728x192xi32, #tpu.memory_space<hbm>> -> memref<54x192xi32, #tpu.memory_space<hbm>>
      tpu.wait_dma2 semaphore(%run_scoped3A : memref<!tpu.dma_semaphore, #tpu.memory_space<semaphore_mem>>) src(%dma_wait3A_28 : memref<54x192xi32, #tpu.memory_space<hbm>>) dst(%arg8 : memref<54x192xi32, #tpu.memory_space<vmem>>)
      tpu.yield
    }) : () -> ()
    %barrier3A = arith.constant 0 : index
    tpu.barrier barrier_id(%barrier3A)
    %dma_start3A = arith.constant 0 : i32
    %dma_start3A_11 = arith.constant 0 : i32
    %dma_start3A_12 = tpu.memref_slice %arg7[%dma_start3A, %dma_start3A_11] : memref<54x192xi32, #tpu.memory_space<vmem>> -> memref<1x192xi32, #tpu.memory_space<vmem>>
    %dma_start3A_13 = tpu.memref_squeeze %dma_start3A_12 : memref<1x192xi32, #tpu.memory_space<vmem>> -> memref<192xi32, #tpu.memory_space<vmem>>
    %dma_start3A_14 = arith.constant 0 : i32
    %dma_start3A_15 = arith.constant 0 : i32
    %dma_start3A_16 = tpu.memref_slice %arg12[%dma_start3A_14, %dma_start3A_15] : memref<10000x64xf32, #tpu.memory_space<vmem_shared>> -> memref<10000x64xf32, #tpu.memory_space<vmem_shared>>
    tpu.enqueue_indirect_dma source(%dma_start3A_16 : memref<10000x64xf32, #tpu.memory_space<vmem_shared>>) target(%arg9 : memref<192x64xf32, #tpu.memory_space<vmem>>) offsets(%dma_start3A_13 : memref<192xi32, #tpu.memory_space<vmem>>) semaphore(%arg13 : memref<!tpu.dma_semaphore, #tpu.memory_space<semaphore_mem>>)
    %scan3A = arith.constant 0 : i32
    %scan3A_17 = arith.constant 27 : i32
    %scan3A_18 = arith.addi %scan3A, %scan3A_17 : i32
    %scan3A_19 = arith.constant 1 : i32
    scf.for %scan3A_22 = %scan3A to %scan3A_18 step %scan3A_19  : i32 {
      %mul3A_23 = arith.constant 2 : i32
      %mul3A_24 = arith.muli %scan3A_22, %mul3A_23 : i32
      %add3A_25 = arith.constant 0 : i32
      %add3A_26 = arith.addi %add3A_25, %mul3A_24 : i32
      %add3A_27 = arith.constant 1 : i32
      %add3A_28 = arith.addi %add3A_26, %add3A_27 : i32
      %dma_start3A_29 = arith.constant 0 : i32
      %dma_start3A_30 = tpu.memref_slice %arg7[%add3A_28, %dma_start3A_29] : memref<54x192xi32, #tpu.memory_space<vmem>> -> memref<1x192xi32, #tpu.memory_space<vmem>>
      %dma_start3A_31 = tpu.memref_squeeze %dma_start3A_30 : memref<1x192xi32, #tpu.memory_space<vmem>> -> memref<192xi32, #tpu.memory_space<vmem>>
      %dma_start3A_32 = arith.constant 0 : i32
      %dma_start3A_33 = arith.constant 0 : i32
      %dma_start3A_34 = tpu.memref_slice %arg12[%dma_start3A_32, %dma_start3A_33] : memref<10000x64xf32, #tpu.memory_space<vmem_shared>> -> memref<10000x64xf32, #tpu.memory_space<vmem_shared>>
      tpu.enqueue_indirect_dma source(%dma_start3A_34 : memref<10000x64xf32, #tpu.memory_space<vmem_shared>>) target(%arg10 : memref<192x64xf32, #tpu.memory_space<vmem>>) offsets(%dma_start3A_31 : memref<192xi32, #tpu.memory_space<vmem>>) semaphore(%arg14 : memref<!tpu.dma_semaphore, #tpu.memory_space<semaphore_mem>>)
      %dma_wait3A = arith.constant 0 : i32
      %dma_wait3A_35 = tpu.memref_slice %arg7[%add3A_26, %dma_wait3A] : memref<54x192xi32, #tpu.memory_space<vmem>> -> memref<1x192xi32, #tpu.memory_space<vmem>>
      %dma_wait3A_36 = tpu.memref_squeeze %dma_wait3A_35 : memref<1x192xi32, #tpu.memory_space<vmem>> -> memref<192xi32, #tpu.memory_space<vmem>>
      %dma_wait3A_37 = arith.constant 0 : i32
      %dma_wait3A_38 = arith.constant 0 : i32
      %dma_wait3A_39 = tpu.memref_slice %arg12[%dma_wait3A_37, %dma_wait3A_38] : memref<10000x64xf32, #tpu.memory_space<vmem_shared>> -> memref<10000x64xf32, #tpu.memory_space<vmem_shared>>
      tpu.wait_indirect_dma semaphore(%arg13 : memref<!tpu.dma_semaphore, #tpu.memory_space<semaphore_mem>>) src(%dma_wait3A_39 : memref<10000x64xf32, #tpu.memory_space<vmem_shared>>) dst(%arg9 : memref<192x64xf32, #tpu.memory_space<vmem>>)
      "tpu.region"() ({
        %run_scoped3A = tpu.sem_alloc : memref<!tpu.dma_semaphore, #tpu.memory_space<semaphore_mem>>
        %dma_start3A_54 = arith.constant 0 : i32
        %dma_start3A_55 = tpu.memref_slice %arg8[%add3A_26, %dma_start3A_54] : memref<54x192xi32, #tpu.memory_space<vmem>> -> memref<1x192xi32, #tpu.memory_space<vmem>>
        %dma_start3A_56 = tpu.memref_squeeze %dma_start3A_55 : memref<1x192xi32, #tpu.memory_space<vmem>> -> memref<192xi32, #tpu.memory_space<vmem>>
        %dma_start3A_57 = arith.constant 0 : i32
        %dma_start3A_58 = arith.constant 0 : i32
        %dma_start3A_59 = tpu.memref_slice %arg11[%dma_start3A_57, %dma_start3A_58] : memref<10240x64xf32, #tpu.memory_space<vmem_shared>> -> memref<10240x64xf32, #tpu.memory_space<vmem_shared>>
        tpu.enqueue_indirect_dma source(%arg9 : memref<192x64xf32, #tpu.memory_space<vmem>>) target(%dma_start3A_59 : memref<10240x64xf32, #tpu.memory_space<vmem_shared>>) offsets(%dma_start3A_56 : memref<192xi32, #tpu.memory_space<vmem>>) semaphore(%run_scoped3A : memref<!tpu.dma_semaphore, #tpu.memory_space<semaphore_mem>>) {add = true}
        %dma_wait3A_60 = arith.constant 0 : i32
        %dma_wait3A_61 = tpu.memref_slice %arg8[%add3A_26, %dma_wait3A_60] : memref<54x192xi32, #tpu.memory_space<vmem>> -> memref<1x192xi32, #tpu.memory_space<vmem>>
        %dma_wait3A_62 = tpu.memref_squeeze %dma_wait3A_61 : memref<1x192xi32, #tpu.memory_space<vmem>> -> memref<192xi32, #tpu.memory_space<vmem>>
        %dma_wait3A_63 = arith.constant 0 : i32
        %dma_wait3A_64 = arith.constant 0 : i32
        %dma_wait3A_65 = tpu.memref_slice %arg11[%dma_wait3A_63, %dma_wait3A_64] : memref<10240x64xf32, #tpu.memory_space<vmem_shared>> -> memref<10240x64xf32, #tpu.memory_space<vmem_shared>>
        tpu.wait_indirect_dma semaphore(%run_scoped3A : memref<!tpu.dma_semaphore, #tpu.memory_space<semaphore_mem>>) src(%arg9 : memref<192x64xf32, #tpu.memory_space<vmem>>) dst(%dma_wait3A_65 : memref<10240x64xf32, #tpu.memory_space<vmem_shared>>)
        tpu.yield
      }) : () -> ()
      %add3A_40 = arith.constant 2 : i32
      %add3A_41 = arith.addi %add3A_26, %add3A_40 : i32
      %lt3A = arith.constant 54 : i32
      %lt3A_42 = arith.cmpi slt, %add3A_41, %lt3A : i32
      %convert_element_type3A = arith.extui %lt3A_42 : i1 to i32
      %cond3A = arith.constant 0 : i32
      %cond3A_43 = arith.cmpi ne, %convert_element_type3A, %cond3A : i32
      scf.if %cond3A_43 {
        %add3A_54 = arith.constant 2 : i32
        %add3A_55 = arith.addi %add3A_26, %add3A_54 : i32
        %dma_start3A_56 = arith.constant 0 : i32
        %dma_start3A_57 = tpu.memref_slice %arg7[%add3A_55, %dma_start3A_56] : memref<54x192xi32, #tpu.memory_space<vmem>> -> memref<1x192xi32, #tpu.memory_space<vmem>>
        %dma_start3A_58 = tpu.memref_squeeze %dma_start3A_57 : memref<1x192xi32, #tpu.memory_space<vmem>> -> memref<192xi32, #tpu.memory_space<vmem>>
        %dma_start3A_59 = arith.constant 0 : i32
        %dma_start3A_60 = arith.constant 0 : i32
        %dma_start3A_61 = tpu.memref_slice %arg12[%dma_start3A_59, %dma_start3A_60] : memref<10000x64xf32, #tpu.memory_space<vmem_shared>> -> memref<10000x64xf32, #tpu.memory_space<vmem_shared>>
        tpu.enqueue_indirect_dma source(%dma_start3A_61 : memref<10000x64xf32, #tpu.memory_space<vmem_shared>>) target(%arg9 : memref<192x64xf32, #tpu.memory_space<vmem>>) offsets(%dma_start3A_58 : memref<192xi32, #tpu.memory_space<vmem>>) semaphore(%arg13 : memref<!tpu.dma_semaphore, #tpu.memory_space<semaphore_mem>>)
      } else {
      }
      %add3A_44 = arith.constant 1 : i32
      %add3A_45 = arith.addi %add3A_26, %add3A_44 : i32
      %dma_wait3A_46 = arith.constant 0 : i32
      %dma_wait3A_47 = tpu.memref_slice %arg7[%add3A_45, %dma_wait3A_46] : memref<54x192xi32, #tpu.memory_space<vmem>> -> memref<1x192xi32, #tpu.memory_space<vmem>>
      %dma_wait3A_48 = tpu.memref_squeeze %dma_wait3A_47 : memref<1x192xi32, #tpu.memory_space<vmem>> -> memref<192xi32, #tpu.memory_space<vmem>>
      %dma_wait3A_49 = arith.constant 0 : i32
      %dma_wait3A_50 = arith.constant 0 : i32
      %dma_wait3A_51 = tpu.memref_slice %arg12[%dma_wait3A_49, %dma_wait3A_50] : memref<10000x64xf32, #tpu.memory_space<vmem_shared>> -> memref<10000x64xf32, #tpu.memory_space<vmem_shared>>
      tpu.wait_indirect_dma semaphore(%arg14 : memref<!tpu.dma_semaphore, #tpu.memory_space<semaphore_mem>>) src(%dma_wait3A_51 : memref<10000x64xf32, #tpu.memory_space<vmem_shared>>) dst(%arg10 : memref<192x64xf32, #tpu.memory_space<vmem>>)
      %add3A_52 = arith.constant 1 : i32
      %add3A_53 = arith.addi %add3A_26, %add3A_52 : i32
      "tpu.region"() ({
        %run_scoped3A = tpu.sem_alloc : memref<!tpu.dma_semaphore, #tpu.memory_space<semaphore_mem>>
        %dma_start3A_54 = arith.constant 0 : i32
        %dma_start3A_55 = tpu.memref_slice %arg8[%add3A_53, %dma_start3A_54] : memref<54x192xi32, #tpu.memory_space<vmem>> -> memref<1x192xi32, #tpu.memory_space<vmem>>
        %dma_start3A_56 = tpu.memref_squeeze %dma_start3A_55 : memref<1x192xi32, #tpu.memory_space<vmem>> -> memref<192xi32, #tpu.memory_space<vmem>>
        %dma_start3A_57 = arith.constant 0 : i32
        %dma_start3A_58 = arith.constant 0 : i32
        %dma_start3A_59 = tpu.memref_slice %arg11[%dma_start3A_57, %dma_start3A_58] : memref<10240x64xf32, #tpu.memory_space<vmem_shared>> -> memref<10240x64xf32, #tpu.memory_space<vmem_shared>>
        tpu.enqueue_indirect_dma source(%arg10 : memref<192x64xf32, #tpu.memory_space<vmem>>) target(%dma_start3A_59 : memref<10240x64xf32, #tpu.memory_space<vmem_shared>>) offsets(%dma_start3A_56 : memref<192xi32, #tpu.memory_space<vmem>>) semaphore(%run_scoped3A : memref<!tpu.dma_semaphore, #tpu.memory_space<semaphore_mem>>) {add = true}
        %dma_wait3A_60 = arith.constant 0 : i32
        %dma_wait3A_61 = tpu.memref_slice %arg8[%add3A_53, %dma_wait3A_60] : memref<54x192xi32, #tpu.memory_space<vmem>> -> memref<1x192xi32, #tpu.memory_space<vmem>>
        %dma_wait3A_62 = tpu.memref_squeeze %dma_wait3A_61 : memref<1x192xi32, #tpu.memory_space<vmem>> -> memref<192xi32, #tpu.memory_space<vmem>>
        %dma_wait3A_63 = arith.constant 0 : i32
        %dma_wait3A_64 = arith.constant 0 : i32
        %dma_wait3A_65 = tpu.memref_slice %arg11[%dma_wait3A_63, %dma_wait3A_64] : memref<10240x64xf32, #tpu.memory_space<vmem_shared>> -> memref<10240x64xf32, #tpu.memory_space<vmem_shared>>
        tpu.wait_indirect_dma semaphore(%run_scoped3A : memref<!tpu.dma_semaphore, #tpu.memory_space<semaphore_mem>>) src(%arg10 : memref<192x64xf32, #tpu.memory_space<vmem>>) dst(%dma_wait3A_65 : memref<10240x64xf32, #tpu.memory_space<vmem_shared>>)
        tpu.yield
      }) : () -> ()
    }
    %scan3A_20 = arith.constant 27 : i32
    %barrier3A_21 = arith.constant 0 : index
    tpu.barrier barrier_id(%barrier3A_21)
    "tpu.region"() ({
      %run_scoped3A = tpu.sem_alloc : memref<!tpu.dma_semaphore, #tpu.memory_space<semaphore_mem>>
      %dma_start3A_22 = arith.constant 0 : i32
      %dma_start3A_23 = arith.constant 0 : i32
      %dma_start3A_24 = tpu.memref_slice %arg6[%arg0, %dma_start3A_22, %dma_start3A_23] : memref<2x10240x64xf32, #tpu.memory_space<hbm>> -> memref<1x10240x64xf32, #tpu.memory_space<hbm>>
      %dma_start3A_25 = tpu.memref_squeeze %dma_start3A_24 : memref<1x10240x64xf32, #tpu.memory_space<hbm>> -> memref<10240x64xf32, #tpu.memory_space<hbm>>
      %dma_start3A_26 = arith.constant 0 : i32
      %dma_start3A_27 = tpu.memref_slice %dma_start3A_25[%mul3A_2, %dma_start3A_26] : memref<10240x64xf32, #tpu.memory_space<hbm>> -> memref<640x64xf32, #tpu.memory_space<hbm>>
      %dma_start3A_28 = arith.constant 0 : i32
      %dma_start3A_29 = tpu.memref_slice %arg11[%mul3A_2, %dma_start3A_28] : memref<10240x64xf32, #tpu.memory_space<vmem_shared>> -> memref<640x64xf32, #tpu.memory_space<vmem_shared>>
      tpu.enqueue_dma source(%dma_start3A_29 : memref<640x64xf32, #tpu.memory_space<vmem_shared>>) target(%dma_start3A_27 : memref<640x64xf32, #tpu.memory_space<hbm>>) target_semaphore(%run_scoped3A : memref<!tpu.dma_semaphore, #tpu.memory_space<semaphore_mem>>)
      %dma_wait3A = arith.constant 0 : i32
      %dma_wait3A_30 = arith.constant 0 : i32
      %dma_wait3A_31 = tpu.memref_slice %arg6[%arg0, %dma_wait3A, %dma_wait3A_30] : memref<2x10240x64xf32, #tpu.memory_space<hbm>> -> memref<1x10240x64xf32, #tpu.memory_space<hbm>>
      %dma_wait3A_32 = tpu.memref_squeeze %dma_wait3A_31 : memref<1x10240x64xf32, #tpu.memory_space<hbm>> -> memref<10240x64xf32, #tpu.memory_space<hbm>>
      %dma_wait3A_33 = arith.constant 0 : i32
      %dma_wait3A_34 = tpu.memref_slice %dma_wait3A_32[%mul3A_2, %dma_wait3A_33] : memref<10240x64xf32, #tpu.memory_space<hbm>> -> memref<640x64xf32, #tpu.memory_space<hbm>>
      %dma_wait3A_35 = arith.constant 0 : i32
      %dma_wait3A_36 = tpu.memref_slice %arg11[%mul3A_2, %dma_wait3A_35] : memref<10240x64xf32, #tpu.memory_space<vmem_shared>> -> memref<640x64xf32, #tpu.memory_space<vmem_shared>>
      tpu.wait_dma2 semaphore(%run_scoped3A : memref<!tpu.dma_semaphore, #tpu.memory_space<semaphore_mem>>) src(%dma_wait3A_36 : memref<640x64xf32, #tpu.memory_space<vmem_shared>>) dst(%dma_wait3A_34 : memref<640x64xf32, #tpu.memory_space<hbm>>)
      tpu.yield
    }) : () -> ()
    return
  }
}

#map = affine_map<(d0, d1) -> (0, 0)>
#map1 = affine_map<(d0, d1) -> (0, 0, 0)>
module attributes {stable_mosaic.version = 14 : i64} {
  func.func @segsum(%arg0: i32, %arg1: i32, %arg2: memref<10000x16xf32, #tpu.memory_space<hbm>>, %arg3: memref<1728x192xi32, #tpu.memory_space<hbm>>, %arg4: memref<1728x192xi32, #tpu.memory_space<hbm>>, %arg5: memref<640x16xf32, #tpu.memory_space<hbm>>, %arg6: memref<2x10240x16xf32, #tpu.memory_space<hbm>>, %arg7: memref<54x192xi32, #tpu.memory_space<vmem>>, %arg8: memref<54x192xi32, #tpu.memory_space<vmem>>, %arg9: memref<192x16xf32, #tpu.memory_space<vmem>>, %arg10: memref<192x16xf32, #tpu.memory_space<vmem>>, %arg11: memref<10240x16xf32, #tpu.memory_space<vmem_shared>>, %arg12: memref<10000x16xf32, #tpu.memory_space<vmem_shared>>, %arg13: memref<!tpu.dma_semaphore, #tpu.memory_space<semaphore_mem>>, %arg14: memref<!tpu.dma_semaphore, #tpu.memory_space<semaphore_mem>>) attributes {dimension_semantics = [#tpu.dimension_semantics<core_parallel>, #tpu.dimension_semantics<subcore_parallel>], iteration_bounds = array<i64: 2, 16>, scalar_prefetch = 0 : i64, scratch_operands = 8 : i64, tpu.core_type = #tpu.core_type<sc_vector_subcore>, window_params = [{transform_indices = #map}, {transform_indices = #map}, {transform_indices = #map}, {transform_indices = #map}, {transform_indices = #map1}]} {
    %mul3A = arith.constant 16 : i32
    %mul3A_0 = arith.muli %arg0, %mul3A : i32
    %add3A = arith.addi %mul3A_0, %arg1 : i32
    %mul3A_1 = arith.constant 640 : i32
    %mul3A_2 = arith.muli %arg1, %mul3A_1 : i32
    "tpu.region"() ({
      %run_scoped3A = tpu.sem_alloc : memref<!tpu.dma_semaphore, #tpu.memory_space<semaphore_mem>>
      %dma_start3A_22 = arith.constant 0 : i32
      %dma_start3A_23 = tpu.memref_slice %arg11[%mul3A_2, %dma_start3A_22] : memref<10240x16xf32, #tpu.memory_space<vmem_shared>> -> memref<640x16xf32, #tpu.memory_space<vmem_shared>>
      tpu.enqueue_dma source(%arg5 : memref<640x16xf32, #tpu.memory_space<hbm>>) target(%dma_start3A_23 : memref<640x16xf32, #tpu.memory_space<vmem_shared>>) target_semaphore(%run_scoped3A : memref<!tpu.dma_semaphore, #tpu.memory_space<semaphore_mem>>)
      %dma_wait3A = arith.constant 0 : i32
      %dma_wait3A_24 = tpu.memref_slice %arg11[%mul3A_2, %dma_wait3A] : memref<10240x16xf32, #tpu.memory_space<vmem_shared>> -> memref<640x16xf32, #tpu.memory_space<vmem_shared>>
      tpu.wait_dma2 semaphore(%run_scoped3A : memref<!tpu.dma_semaphore, #tpu.memory_space<semaphore_mem>>) src(%arg5 : memref<640x16xf32, #tpu.memory_space<hbm>>) dst(%dma_wait3A_24 : memref<640x16xf32, #tpu.memory_space<vmem_shared>>)
      tpu.yield
    }) : () -> ()
    %mul3A_3 = arith.constant 625 : i32
    %mul3A_4 = arith.muli %arg1, %mul3A_3 : i32
    %mul3A_5 = arith.constant 625 : i32
    %mul3A_6 = arith.muli %arg1, %mul3A_5 : i32
    "tpu.region"() ({
      %run_scoped3A = tpu.sem_alloc : memref<!tpu.dma_semaphore, #tpu.memory_space<semaphore_mem>>
      %dma_start3A_22 = arith.constant 0 : i32
      %dma_start3A_23 = tpu.memref_slice %arg12[%mul3A_6, %dma_start3A_22] : memref<10000x16xf32, #tpu.memory_space<vmem_shared>> -> memref<625x16xf32, #tpu.memory_space<vmem_shared>>
      %dma_start3A_24 = arith.constant 0 : i32
      %dma_start3A_25 = tpu.memref_slice %arg2[%mul3A_4, %dma_start3A_24] : memref<10000x16xf32, #tpu.memory_space<hbm>> -> memref<625x16xf32, #tpu.memory_space<hbm>>
      tpu.enqueue_dma source(%dma_start3A_25 : memref<625x16xf32, #tpu.memory_space<hbm>>) target(%dma_start3A_23 : memref<625x16xf32, #tpu.memory_space<vmem_shared>>) target_semaphore(%run_scoped3A : memref<!tpu.dma_semaphore, #tpu.memory_space<semaphore_mem>>)
      %dma_wait3A = arith.constant 0 : i32
      %dma_wait3A_26 = tpu.memref_slice %arg12[%mul3A_6, %dma_wait3A] : memref<10000x16xf32, #tpu.memory_space<vmem_shared>> -> memref<625x16xf32, #tpu.memory_space<vmem_shared>>
      %dma_wait3A_27 = arith.constant 0 : i32
      %dma_wait3A_28 = tpu.memref_slice %arg2[%mul3A_4, %dma_wait3A_27] : memref<10000x16xf32, #tpu.memory_space<hbm>> -> memref<625x16xf32, #tpu.memory_space<hbm>>
      tpu.wait_dma2 semaphore(%run_scoped3A : memref<!tpu.dma_semaphore, #tpu.memory_space<semaphore_mem>>) src(%dma_wait3A_28 : memref<625x16xf32, #tpu.memory_space<hbm>>) dst(%dma_wait3A_26 : memref<625x16xf32, #tpu.memory_space<vmem_shared>>)
      tpu.yield
    }) : () -> ()
    %mul3A_7 = arith.constant 54 : i32
    %mul3A_8 = arith.muli %add3A, %mul3A_7 : i32
    "tpu.region"() ({
      %run_scoped3A = tpu.sem_alloc : memref<!tpu.dma_semaphore, #tpu.memory_space<semaphore_mem>>
      %dma_start3A_22 = arith.constant 0 : i32
      %dma_start3A_23 = tpu.memref_slice %arg3[%mul3A_8, %dma_start3A_22] : memref<1728x192xi32, #tpu.memory_space<hbm>> -> memref<54x192xi32, #tpu.memory_space<hbm>>
      %dma_start3A_24 = arith.constant 0 : i32
      %dma_start3A_25 = tpu.memref_slice %arg3[%mul3A_8, %dma_start3A_24] : memref<1728x192xi32, #tpu.memory_space<hbm>> -> memref<54x192xi32, #tpu.memory_space<hbm>>
      tpu.enqueue_dma source(%dma_start3A_25 : memref<54x192xi32, #tpu.memory_space<hbm>>) target(%arg7 : memref<54x192xi32, #tpu.memory_space<vmem>>) target_semaphore(%run_scoped3A : memref<!tpu.dma_semaphore, #tpu.memory_space<semaphore_mem>>)
      %dma_wait3A = arith.constant 0 : i32
      %dma_wait3A_26 = tpu.memref_slice %arg3[%mul3A_8, %dma_wait3A] : memref<1728x192xi32, #tpu.memory_space<hbm>> -> memref<54x192xi32, #tpu.memory_space<hbm>>
      %dma_wait3A_27 = arith.constant 0 : i32
      %dma_wait3A_28 = tpu.memref_slice %arg3[%mul3A_8, %dma_wait3A_27] : memref<1728x192xi32, #tpu.memory_space<hbm>> -> memref<54x192xi32, #tpu.memory_space<hbm>>
      tpu.wait_dma2 semaphore(%run_scoped3A : memref<!tpu.dma_semaphore, #tpu.memory_space<semaphore_mem>>) src(%dma_wait3A_28 : memref<54x192xi32, #tpu.memory_space<hbm>>) dst(%arg7 : memref<54x192xi32, #tpu.memory_space<vmem>>)
      tpu.yield
    }) : () -> ()
    %mul3A_9 = arith.constant 54 : i32
    %mul3A_10 = arith.muli %add3A, %mul3A_9 : i32
    "tpu.region"() ({
      %run_scoped3A = tpu.sem_alloc : memref<!tpu.dma_semaphore, #tpu.memory_space<semaphore_mem>>
      %dma_start3A_22 = arith.constant 0 : i32
      %dma_start3A_23 = tpu.memref_slice %arg4[%mul3A_10, %dma_start3A_22] : memref<1728x192xi32, #tpu.memory_space<hbm>> -> memref<54x192xi32, #tpu.memory_space<hbm>>
      %dma_start3A_24 = arith.constant 0 : i32
      %dma_start3A_25 = tpu.memref_slice %arg4[%mul3A_10, %dma_start3A_24] : memref<1728x192xi32, #tpu.memory_space<hbm>> -> memref<54x192xi32, #tpu.memory_space<hbm>>
      tpu.enqueue_dma source(%dma_start3A_25 : memref<54x192xi32, #tpu.memory_space<hbm>>) target(%arg8 : memref<54x192xi32, #tpu.memory_space<vmem>>) target_semaphore(%run_scoped3A : memref<!tpu.dma_semaphore, #tpu.memory_space<semaphore_mem>>)
      %dma_wait3A = arith.constant 0 : i32
      %dma_wait3A_26 = tpu.memref_slice %arg4[%mul3A_10, %dma_wait3A] : memref<1728x192xi32, #tpu.memory_space<hbm>> -> memref<54x192xi32, #tpu.memory_space<hbm>>
      %dma_wait3A_27 = arith.constant 0 : i32
      %dma_wait3A_28 = tpu.memref_slice %arg4[%mul3A_10, %dma_wait3A_27] : memref<1728x192xi32, #tpu.memory_space<hbm>> -> memref<54x192xi32, #tpu.memory_space<hbm>>
      tpu.wait_dma2 semaphore(%run_scoped3A : memref<!tpu.dma_semaphore, #tpu.memory_space<semaphore_mem>>) src(%dma_wait3A_28 : memref<54x192xi32, #tpu.memory_space<hbm>>) dst(%arg8 : memref<54x192xi32, #tpu.memory_space<vmem>>)
      tpu.yield
    }) : () -> ()
    %barrier3A = arith.constant 0 : index
    tpu.barrier barrier_id(%barrier3A)
    %dma_start3A = arith.constant 0 : i32
    %dma_start3A_11 = arith.constant 0 : i32
    %dma_start3A_12 = tpu.memref_slice %arg7[%dma_start3A, %dma_start3A_11] : memref<54x192xi32, #tpu.memory_space<vmem>> -> memref<1x192xi32, #tpu.memory_space<vmem>>
    %dma_start3A_13 = tpu.memref_squeeze %dma_start3A_12 : memref<1x192xi32, #tpu.memory_space<vmem>> -> memref<192xi32, #tpu.memory_space<vmem>>
    %dma_start3A_14 = arith.constant 0 : i32
    %dma_start3A_15 = arith.constant 0 : i32
    %dma_start3A_16 = tpu.memref_slice %arg12[%dma_start3A_14, %dma_start3A_15] : memref<10000x16xf32, #tpu.memory_space<vmem_shared>> -> memref<10000x16xf32, #tpu.memory_space<vmem_shared>>
    tpu.enqueue_indirect_dma source(%dma_start3A_16 : memref<10000x16xf32, #tpu.memory_space<vmem_shared>>) target(%arg9 : memref<192x16xf32, #tpu.memory_space<vmem>>) offsets(%dma_start3A_13 : memref<192xi32, #tpu.memory_space<vmem>>) semaphore(%arg13 : memref<!tpu.dma_semaphore, #tpu.memory_space<semaphore_mem>>)
    %scan3A = arith.constant 0 : i32
    %scan3A_17 = arith.constant 27 : i32
    %scan3A_18 = arith.addi %scan3A, %scan3A_17 : i32
    %scan3A_19 = arith.constant 1 : i32
    scf.for %scan3A_22 = %scan3A to %scan3A_18 step %scan3A_19  : i32 {
      %mul3A_23 = arith.constant 2 : i32
      %mul3A_24 = arith.muli %scan3A_22, %mul3A_23 : i32
      %add3A_25 = arith.constant 0 : i32
      %add3A_26 = arith.addi %add3A_25, %mul3A_24 : i32
      %add3A_27 = arith.constant 1 : i32
      %add3A_28 = arith.addi %add3A_26, %add3A_27 : i32
      %dma_start3A_29 = arith.constant 0 : i32
      %dma_start3A_30 = tpu.memref_slice %arg7[%add3A_28, %dma_start3A_29] : memref<54x192xi32, #tpu.memory_space<vmem>> -> memref<1x192xi32, #tpu.memory_space<vmem>>
      %dma_start3A_31 = tpu.memref_squeeze %dma_start3A_30 : memref<1x192xi32, #tpu.memory_space<vmem>> -> memref<192xi32, #tpu.memory_space<vmem>>
      %dma_start3A_32 = arith.constant 0 : i32
      %dma_start3A_33 = arith.constant 0 : i32
      %dma_start3A_34 = tpu.memref_slice %arg12[%dma_start3A_32, %dma_start3A_33] : memref<10000x16xf32, #tpu.memory_space<vmem_shared>> -> memref<10000x16xf32, #tpu.memory_space<vmem_shared>>
      tpu.enqueue_indirect_dma source(%dma_start3A_34 : memref<10000x16xf32, #tpu.memory_space<vmem_shared>>) target(%arg10 : memref<192x16xf32, #tpu.memory_space<vmem>>) offsets(%dma_start3A_31 : memref<192xi32, #tpu.memory_space<vmem>>) semaphore(%arg14 : memref<!tpu.dma_semaphore, #tpu.memory_space<semaphore_mem>>)
      %dma_wait3A = arith.constant 0 : i32
      %dma_wait3A_35 = tpu.memref_slice %arg7[%add3A_26, %dma_wait3A] : memref<54x192xi32, #tpu.memory_space<vmem>> -> memref<1x192xi32, #tpu.memory_space<vmem>>
      %dma_wait3A_36 = tpu.memref_squeeze %dma_wait3A_35 : memref<1x192xi32, #tpu.memory_space<vmem>> -> memref<192xi32, #tpu.memory_space<vmem>>
      %dma_wait3A_37 = arith.constant 0 : i32
      %dma_wait3A_38 = arith.constant 0 : i32
      %dma_wait3A_39 = tpu.memref_slice %arg12[%dma_wait3A_37, %dma_wait3A_38] : memref<10000x16xf32, #tpu.memory_space<vmem_shared>> -> memref<10000x16xf32, #tpu.memory_space<vmem_shared>>
      tpu.wait_indirect_dma semaphore(%arg13 : memref<!tpu.dma_semaphore, #tpu.memory_space<semaphore_mem>>) src(%dma_wait3A_39 : memref<10000x16xf32, #tpu.memory_space<vmem_shared>>) dst(%arg9 : memref<192x16xf32, #tpu.memory_space<vmem>>)
      "tpu.region"() ({
        %run_scoped3A = tpu.sem_alloc : memref<!tpu.dma_semaphore, #tpu.memory_space<semaphore_mem>>
        %dma_start3A_54 = arith.constant 0 : i32
        %dma_start3A_55 = tpu.memref_slice %arg8[%add3A_26, %dma_start3A_54] : memref<54x192xi32, #tpu.memory_space<vmem>> -> memref<1x192xi32, #tpu.memory_space<vmem>>
        %dma_start3A_56 = tpu.memref_squeeze %dma_start3A_55 : memref<1x192xi32, #tpu.memory_space<vmem>> -> memref<192xi32, #tpu.memory_space<vmem>>
        %dma_start3A_57 = arith.constant 0 : i32
        %dma_start3A_58 = arith.constant 0 : i32
        %dma_start3A_59 = tpu.memref_slice %arg11[%dma_start3A_57, %dma_start3A_58] : memref<10240x16xf32, #tpu.memory_space<vmem_shared>> -> memref<10240x16xf32, #tpu.memory_space<vmem_shared>>
        tpu.enqueue_indirect_dma source(%arg9 : memref<192x16xf32, #tpu.memory_space<vmem>>) target(%dma_start3A_59 : memref<10240x16xf32, #tpu.memory_space<vmem_shared>>) offsets(%dma_start3A_56 : memref<192xi32, #tpu.memory_space<vmem>>) semaphore(%run_scoped3A : memref<!tpu.dma_semaphore, #tpu.memory_space<semaphore_mem>>) {add = true}
        %dma_wait3A_60 = arith.constant 0 : i32
        %dma_wait3A_61 = tpu.memref_slice %arg8[%add3A_26, %dma_wait3A_60] : memref<54x192xi32, #tpu.memory_space<vmem>> -> memref<1x192xi32, #tpu.memory_space<vmem>>
        %dma_wait3A_62 = tpu.memref_squeeze %dma_wait3A_61 : memref<1x192xi32, #tpu.memory_space<vmem>> -> memref<192xi32, #tpu.memory_space<vmem>>
        %dma_wait3A_63 = arith.constant 0 : i32
        %dma_wait3A_64 = arith.constant 0 : i32
        %dma_wait3A_65 = tpu.memref_slice %arg11[%dma_wait3A_63, %dma_wait3A_64] : memref<10240x16xf32, #tpu.memory_space<vmem_shared>> -> memref<10240x16xf32, #tpu.memory_space<vmem_shared>>
        tpu.wait_indirect_dma semaphore(%run_scoped3A : memref<!tpu.dma_semaphore, #tpu.memory_space<semaphore_mem>>) src(%arg9 : memref<192x16xf32, #tpu.memory_space<vmem>>) dst(%dma_wait3A_65 : memref<10240x16xf32, #tpu.memory_space<vmem_shared>>)
        tpu.yield
      }) : () -> ()
      %add3A_40 = arith.constant 2 : i32
      %add3A_41 = arith.addi %add3A_26, %add3A_40 : i32
      %lt3A = arith.constant 54 : i32
      %lt3A_42 = arith.cmpi slt, %add3A_41, %lt3A : i32
      %convert_element_type3A = arith.extui %lt3A_42 : i1 to i32
      %cond3A = arith.constant 0 : i32
      %cond3A_43 = arith.cmpi ne, %convert_element_type3A, %cond3A : i32
      scf.if %cond3A_43 {
        %add3A_54 = arith.constant 2 : i32
        %add3A_55 = arith.addi %add3A_26, %add3A_54 : i32
        %dma_start3A_56 = arith.constant 0 : i32
        %dma_start3A_57 = tpu.memref_slice %arg7[%add3A_55, %dma_start3A_56] : memref<54x192xi32, #tpu.memory_space<vmem>> -> memref<1x192xi32, #tpu.memory_space<vmem>>
        %dma_start3A_58 = tpu.memref_squeeze %dma_start3A_57 : memref<1x192xi32, #tpu.memory_space<vmem>> -> memref<192xi32, #tpu.memory_space<vmem>>
        %dma_start3A_59 = arith.constant 0 : i32
        %dma_start3A_60 = arith.constant 0 : i32
        %dma_start3A_61 = tpu.memref_slice %arg12[%dma_start3A_59, %dma_start3A_60] : memref<10000x16xf32, #tpu.memory_space<vmem_shared>> -> memref<10000x16xf32, #tpu.memory_space<vmem_shared>>
        tpu.enqueue_indirect_dma source(%dma_start3A_61 : memref<10000x16xf32, #tpu.memory_space<vmem_shared>>) target(%arg9 : memref<192x16xf32, #tpu.memory_space<vmem>>) offsets(%dma_start3A_58 : memref<192xi32, #tpu.memory_space<vmem>>) semaphore(%arg13 : memref<!tpu.dma_semaphore, #tpu.memory_space<semaphore_mem>>)
      } else {
      }
      %add3A_44 = arith.constant 1 : i32
      %add3A_45 = arith.addi %add3A_26, %add3A_44 : i32
      %dma_wait3A_46 = arith.constant 0 : i32
      %dma_wait3A_47 = tpu.memref_slice %arg7[%add3A_45, %dma_wait3A_46] : memref<54x192xi32, #tpu.memory_space<vmem>> -> memref<1x192xi32, #tpu.memory_space<vmem>>
      %dma_wait3A_48 = tpu.memref_squeeze %dma_wait3A_47 : memref<1x192xi32, #tpu.memory_space<vmem>> -> memref<192xi32, #tpu.memory_space<vmem>>
      %dma_wait3A_49 = arith.constant 0 : i32
      %dma_wait3A_50 = arith.constant 0 : i32
      %dma_wait3A_51 = tpu.memref_slice %arg12[%dma_wait3A_49, %dma_wait3A_50] : memref<10000x16xf32, #tpu.memory_space<vmem_shared>> -> memref<10000x16xf32, #tpu.memory_space<vmem_shared>>
      tpu.wait_indirect_dma semaphore(%arg14 : memref<!tpu.dma_semaphore, #tpu.memory_space<semaphore_mem>>) src(%dma_wait3A_51 : memref<10000x16xf32, #tpu.memory_space<vmem_shared>>) dst(%arg10 : memref<192x16xf32, #tpu.memory_space<vmem>>)
      %add3A_52 = arith.constant 1 : i32
      %add3A_53 = arith.addi %add3A_26, %add3A_52 : i32
      "tpu.region"() ({
        %run_scoped3A = tpu.sem_alloc : memref<!tpu.dma_semaphore, #tpu.memory_space<semaphore_mem>>
        %dma_start3A_54 = arith.constant 0 : i32
        %dma_start3A_55 = tpu.memref_slice %arg8[%add3A_53, %dma_start3A_54] : memref<54x192xi32, #tpu.memory_space<vmem>> -> memref<1x192xi32, #tpu.memory_space<vmem>>
        %dma_start3A_56 = tpu.memref_squeeze %dma_start3A_55 : memref<1x192xi32, #tpu.memory_space<vmem>> -> memref<192xi32, #tpu.memory_space<vmem>>
        %dma_start3A_57 = arith.constant 0 : i32
        %dma_start3A_58 = arith.constant 0 : i32
        %dma_start3A_59 = tpu.memref_slice %arg11[%dma_start3A_57, %dma_start3A_58] : memref<10240x16xf32, #tpu.memory_space<vmem_shared>> -> memref<10240x16xf32, #tpu.memory_space<vmem_shared>>
        tpu.enqueue_indirect_dma source(%arg10 : memref<192x16xf32, #tpu.memory_space<vmem>>) target(%dma_start3A_59 : memref<10240x16xf32, #tpu.memory_space<vmem_shared>>) offsets(%dma_start3A_56 : memref<192xi32, #tpu.memory_space<vmem>>) semaphore(%run_scoped3A : memref<!tpu.dma_semaphore, #tpu.memory_space<semaphore_mem>>) {add = true}
        %dma_wait3A_60 = arith.constant 0 : i32
        %dma_wait3A_61 = tpu.memref_slice %arg8[%add3A_53, %dma_wait3A_60] : memref<54x192xi32, #tpu.memory_space<vmem>> -> memref<1x192xi32, #tpu.memory_space<vmem>>
        %dma_wait3A_62 = tpu.memref_squeeze %dma_wait3A_61 : memref<1x192xi32, #tpu.memory_space<vmem>> -> memref<192xi32, #tpu.memory_space<vmem>>
        %dma_wait3A_63 = arith.constant 0 : i32
        %dma_wait3A_64 = arith.constant 0 : i32
        %dma_wait3A_65 = tpu.memref_slice %arg11[%dma_wait3A_63, %dma_wait3A_64] : memref<10240x16xf32, #tpu.memory_space<vmem_shared>> -> memref<10240x16xf32, #tpu.memory_space<vmem_shared>>
        tpu.wait_indirect_dma semaphore(%run_scoped3A : memref<!tpu.dma_semaphore, #tpu.memory_space<semaphore_mem>>) src(%arg10 : memref<192x16xf32, #tpu.memory_space<vmem>>) dst(%dma_wait3A_65 : memref<10240x16xf32, #tpu.memory_space<vmem_shared>>)
        tpu.yield
      }) : () -> ()
    }
    %scan3A_20 = arith.constant 27 : i32
    %barrier3A_21 = arith.constant 0 : index
    tpu.barrier barrier_id(%barrier3A_21)
    "tpu.region"() ({
      %run_scoped3A = tpu.sem_alloc : memref<!tpu.dma_semaphore, #tpu.memory_space<semaphore_mem>>
      %dma_start3A_22 = arith.constant 0 : i32
      %dma_start3A_23 = arith.constant 0 : i32
      %dma_start3A_24 = tpu.memref_slice %arg6[%arg0, %dma_start3A_22, %dma_start3A_23] : memref<2x10240x16xf32, #tpu.memory_space<hbm>> -> memref<1x10240x16xf32, #tpu.memory_space<hbm>>
      %dma_start3A_25 = tpu.memref_squeeze %dma_start3A_24 : memref<1x10240x16xf32, #tpu.memory_space<hbm>> -> memref<10240x16xf32, #tpu.memory_space<hbm>>
      %dma_start3A_26 = arith.constant 0 : i32
      %dma_start3A_27 = tpu.memref_slice %dma_start3A_25[%mul3A_2, %dma_start3A_26] : memref<10240x16xf32, #tpu.memory_space<hbm>> -> memref<640x16xf32, #tpu.memory_space<hbm>>
      %dma_start3A_28 = arith.constant 0 : i32
      %dma_start3A_29 = tpu.memref_slice %arg11[%mul3A_2, %dma_start3A_28] : memref<10240x16xf32, #tpu.memory_space<vmem_shared>> -> memref<640x16xf32, #tpu.memory_space<vmem_shared>>
      tpu.enqueue_dma source(%dma_start3A_29 : memref<640x16xf32, #tpu.memory_space<vmem_shared>>) target(%dma_start3A_27 : memref<640x16xf32, #tpu.memory_space<hbm>>) target_semaphore(%run_scoped3A : memref<!tpu.dma_semaphore, #tpu.memory_space<semaphore_mem>>)
      %dma_wait3A = arith.constant 0 : i32
      %dma_wait3A_30 = arith.constant 0 : i32
      %dma_wait3A_31 = tpu.memref_slice %arg6[%arg0, %dma_wait3A, %dma_wait3A_30] : memref<2x10240x16xf32, #tpu.memory_space<hbm>> -> memref<1x10240x16xf32, #tpu.memory_space<hbm>>
      %dma_wait3A_32 = tpu.memref_squeeze %dma_wait3A_31 : memref<1x10240x16xf32, #tpu.memory_space<hbm>> -> memref<10240x16xf32, #tpu.memory_space<hbm>>
      %dma_wait3A_33 = arith.constant 0 : i32
      %dma_wait3A_34 = tpu.memref_slice %dma_wait3A_32[%mul3A_2, %dma_wait3A_33] : memref<10240x16xf32, #tpu.memory_space<hbm>> -> memref<640x16xf32, #tpu.memory_space<hbm>>
      %dma_wait3A_35 = arith.constant 0 : i32
      %dma_wait3A_36 = tpu.memref_slice %arg11[%mul3A_2, %dma_wait3A_35] : memref<10240x16xf32, #tpu.memory_space<vmem_shared>> -> memref<640x16xf32, #tpu.memory_space<vmem_shared>>
      tpu.wait_dma2 semaphore(%run_scoped3A : memref<!tpu.dma_semaphore, #tpu.memory_space<semaphore_mem>>) src(%dma_wait3A_36 : memref<640x16xf32, #tpu.memory_space<vmem_shared>>) dst(%dma_wait3A_34 : memref<640x16xf32, #tpu.memory_space<hbm>>)
      tpu.yield
    }) : () -> ()
    return
  }
}

#map = affine_map<(d0, d1) -> (0, 0, 0)>
#map1 = affine_map<(d0, d1) -> (0, 0)>
module attributes {stable_mosaic.version = 14 : i64} {
  func.func @_sc_degree(%arg0: i32, %arg1: i32, %arg2: memref<32x18x576xi32, #tpu.memory_space<hbm>>, %arg3: memref<576x16xf32, #tpu.memory_space<hbm>>, %arg4: memref<640x16xf32, #tpu.memory_space<hbm>>, %arg5: memref<2x10240x16xf32, #tpu.memory_space<hbm>>, %arg6: memref<18x576xi32, #tpu.memory_space<vmem>>, %arg7: memref<576x16xf32, #tpu.memory_space<vmem>>, %arg8: memref<10240x16xf32, #tpu.memory_space<vmem_shared>>) attributes {dimension_semantics = [#tpu.dimension_semantics<core_parallel>, #tpu.dimension_semantics<subcore_parallel>], iteration_bounds = array<i64: 2, 16>, scalar_prefetch = 0 : i64, scratch_operands = 3 : i64, tpu.core_type = #tpu.core_type<sc_vector_subcore>, window_params = [{transform_indices = #map}, {transform_indices = #map1}, {transform_indices = #map1}, {transform_indices = #map}]} {
    %mul3A = arith.constant 16 : i32
    %mul3A_0 = arith.muli %arg0, %mul3A : i32
    %add3A = arith.addi %mul3A_0, %arg1 : i32
    %mul3A_1 = arith.constant 640 : i32
    %mul3A_2 = arith.muli %arg1, %mul3A_1 : i32
    "tpu.region"() ({
      %run_scoped3A = tpu.sem_alloc : memref<!tpu.dma_semaphore, #tpu.memory_space<semaphore_mem>>
      %dma_start3A = arith.constant 0 : i32
      %dma_start3A_8 = tpu.memref_slice %arg8[%mul3A_2, %dma_start3A] : memref<10240x16xf32, #tpu.memory_space<vmem_shared>> -> memref<640x16xf32, #tpu.memory_space<vmem_shared>>
      tpu.enqueue_dma source(%arg4 : memref<640x16xf32, #tpu.memory_space<hbm>>) target(%dma_start3A_8 : memref<640x16xf32, #tpu.memory_space<vmem_shared>>) target_semaphore(%run_scoped3A : memref<!tpu.dma_semaphore, #tpu.memory_space<semaphore_mem>>)
      %dma_wait3A = arith.constant 0 : i32
      %dma_wait3A_9 = tpu.memref_slice %arg8[%mul3A_2, %dma_wait3A] : memref<10240x16xf32, #tpu.memory_space<vmem_shared>> -> memref<640x16xf32, #tpu.memory_space<vmem_shared>>
      tpu.wait_dma2 semaphore(%run_scoped3A : memref<!tpu.dma_semaphore, #tpu.memory_space<semaphore_mem>>) src(%arg4 : memref<640x16xf32, #tpu.memory_space<hbm>>) dst(%dma_wait3A_9 : memref<640x16xf32, #tpu.memory_space<vmem_shared>>)
      tpu.yield
    }) : () -> ()
    "tpu.region"() ({
      %run_scoped3A = tpu.sem_alloc : memref<!tpu.dma_semaphore, #tpu.memory_space<semaphore_mem>>
      tpu.enqueue_dma source(%arg3 : memref<576x16xf32, #tpu.memory_space<hbm>>) target(%arg7 : memref<576x16xf32, #tpu.memory_space<vmem>>) target_semaphore(%run_scoped3A : memref<!tpu.dma_semaphore, #tpu.memory_space<semaphore_mem>>)
      tpu.wait_dma2 semaphore(%run_scoped3A : memref<!tpu.dma_semaphore, #tpu.memory_space<semaphore_mem>>) src(%arg3 : memref<576x16xf32, #tpu.memory_space<hbm>>) dst(%arg7 : memref<576x16xf32, #tpu.memory_space<vmem>>)
      tpu.yield
    }) : () -> ()
    "tpu.region"() ({
      %run_scoped3A = tpu.sem_alloc : memref<!tpu.dma_semaphore, #tpu.memory_space<semaphore_mem>>
      %dma_start3A = arith.constant 0 : i32
      %dma_start3A_8 = arith.constant 0 : i32
      %dma_start3A_9 = tpu.memref_slice %arg2[%add3A, %dma_start3A, %dma_start3A_8] : memref<32x18x576xi32, #tpu.memory_space<hbm>> -> memref<1x18x576xi32, #tpu.memory_space<hbm>>
      %dma_start3A_10 = tpu.memref_squeeze %dma_start3A_9 : memref<1x18x576xi32, #tpu.memory_space<hbm>> -> memref<18x576xi32, #tpu.memory_space<hbm>>
      %dma_start3A_11 = arith.constant 0 : i32
      %dma_start3A_12 = arith.constant 0 : i32
      %dma_start3A_13 = tpu.memref_slice %arg2[%add3A, %dma_start3A_11, %dma_start3A_12] : memref<32x18x576xi32, #tpu.memory_space<hbm>> -> memref<1x18x576xi32, #tpu.memory_space<hbm>>
      %dma_start3A_14 = tpu.memref_squeeze %dma_start3A_13 : memref<1x18x576xi32, #tpu.memory_space<hbm>> -> memref<18x576xi32, #tpu.memory_space<hbm>>
      tpu.enqueue_dma source(%dma_start3A_14 : memref<18x576xi32, #tpu.memory_space<hbm>>) target(%arg6 : memref<18x576xi32, #tpu.memory_space<vmem>>) target_semaphore(%run_scoped3A : memref<!tpu.dma_semaphore, #tpu.memory_space<semaphore_mem>>)
      %dma_wait3A = arith.constant 0 : i32
      %dma_wait3A_15 = arith.constant 0 : i32
      %dma_wait3A_16 = tpu.memref_slice %arg2[%add3A, %dma_wait3A, %dma_wait3A_15] : memref<32x18x576xi32, #tpu.memory_space<hbm>> -> memref<1x18x576xi32, #tpu.memory_space<hbm>>
      %dma_wait3A_17 = tpu.memref_squeeze %dma_wait3A_16 : memref<1x18x576xi32, #tpu.memory_space<hbm>> -> memref<18x576xi32, #tpu.memory_space<hbm>>
      %dma_wait3A_18 = arith.constant 0 : i32
      %dma_wait3A_19 = arith.constant 0 : i32
      %dma_wait3A_20 = tpu.memref_slice %arg2[%add3A, %dma_wait3A_18, %dma_wait3A_19] : memref<32x18x576xi32, #tpu.memory_space<hbm>> -> memref<1x18x576xi32, #tpu.memory_space<hbm>>
      %dma_wait3A_21 = tpu.memref_squeeze %dma_wait3A_20 : memref<1x18x576xi32, #tpu.memory_space<hbm>> -> memref<18x576xi32, #tpu.memory_space<hbm>>
      tpu.wait_dma2 semaphore(%run_scoped3A : memref<!tpu.dma_semaphore, #tpu.memory_space<semaphore_mem>>) src(%dma_wait3A_21 : memref<18x576xi32, #tpu.memory_space<hbm>>) dst(%arg6 : memref<18x576xi32, #tpu.memory_space<vmem>>)
      tpu.yield
    }) : () -> ()
    %barrier3A = arith.constant 0 : index
    tpu.barrier barrier_id(%barrier3A)
    %scan3A = arith.constant 0 : i32
    %scan3A_3 = arith.constant 18 : i32
    %scan3A_4 = arith.addi %scan3A, %scan3A_3 : i32
    %scan3A_5 = arith.constant 1 : i32
    scf.for %scan3A_8 = %scan3A to %scan3A_4 step %scan3A_5  : i32 {
      %mul3A_9 = arith.constant 1 : i32
      %mul3A_10 = arith.muli %scan3A_8, %mul3A_9 : i32
      %add3A_11 = arith.constant 0 : i32
      %add3A_12 = arith.addi %add3A_11, %mul3A_10 : i32
      "tpu.region"() ({
        %run_scoped3A = tpu.sem_alloc : memref<!tpu.dma_semaphore, #tpu.memory_space<semaphore_mem>>
        %dma_start3A = arith.constant 0 : i32
        %dma_start3A_13 = tpu.memref_slice %arg6[%add3A_12, %dma_start3A] : memref<18x576xi32, #tpu.memory_space<vmem>> -> memref<1x576xi32, #tpu.memory_space<vmem>>
        %dma_start3A_14 = tpu.memref_squeeze %dma_start3A_13 : memref<1x576xi32, #tpu.memory_space<vmem>> -> memref<576xi32, #tpu.memory_space<vmem>>
        %dma_start3A_15 = arith.constant 0 : i32
        %dma_start3A_16 = arith.constant 0 : i32
        %dma_start3A_17 = tpu.memref_slice %arg8[%dma_start3A_15, %dma_start3A_16] : memref<10240x16xf32, #tpu.memory_space<vmem_shared>> -> memref<10240x16xf32, #tpu.memory_space<vmem_shared>>
        tpu.enqueue_indirect_dma source(%arg7 : memref<576x16xf32, #tpu.memory_space<vmem>>) target(%dma_start3A_17 : memref<10240x16xf32, #tpu.memory_space<vmem_shared>>) offsets(%dma_start3A_14 : memref<576xi32, #tpu.memory_space<vmem>>) semaphore(%run_scoped3A : memref<!tpu.dma_semaphore, #tpu.memory_space<semaphore_mem>>) {add = true}
        %dma_wait3A = arith.constant 0 : i32
        %dma_wait3A_18 = tpu.memref_slice %arg6[%add3A_12, %dma_wait3A] : memref<18x576xi32, #tpu.memory_space<vmem>> -> memref<1x576xi32, #tpu.memory_space<vmem>>
        %dma_wait3A_19 = tpu.memref_squeeze %dma_wait3A_18 : memref<1x576xi32, #tpu.memory_space<vmem>> -> memref<576xi32, #tpu.memory_space<vmem>>
        %dma_wait3A_20 = arith.constant 0 : i32
        %dma_wait3A_21 = arith.constant 0 : i32
        %dma_wait3A_22 = tpu.memref_slice %arg8[%dma_wait3A_20, %dma_wait3A_21] : memref<10240x16xf32, #tpu.memory_space<vmem_shared>> -> memref<10240x16xf32, #tpu.memory_space<vmem_shared>>
        tpu.wait_indirect_dma semaphore(%run_scoped3A : memref<!tpu.dma_semaphore, #tpu.memory_space<semaphore_mem>>) src(%arg7 : memref<576x16xf32, #tpu.memory_space<vmem>>) dst(%dma_wait3A_22 : memref<10240x16xf32, #tpu.memory_space<vmem_shared>>)
        tpu.yield
      }) : () -> ()
    }
    %scan3A_6 = arith.constant 18 : i32
    %barrier3A_7 = arith.constant 0 : index
    tpu.barrier barrier_id(%barrier3A_7)
    "tpu.region"() ({
      %run_scoped3A = tpu.sem_alloc : memref<!tpu.dma_semaphore, #tpu.memory_space<semaphore_mem>>
      %dma_start3A = arith.constant 0 : i32
      %dma_start3A_8 = arith.constant 0 : i32
      %dma_start3A_9 = tpu.memref_slice %arg5[%arg0, %dma_start3A, %dma_start3A_8] : memref<2x10240x16xf32, #tpu.memory_space<hbm>> -> memref<1x10240x16xf32, #tpu.memory_space<hbm>>
      %dma_start3A_10 = tpu.memref_squeeze %dma_start3A_9 : memref<1x10240x16xf32, #tpu.memory_space<hbm>> -> memref<10240x16xf32, #tpu.memory_space<hbm>>
      %dma_start3A_11 = arith.constant 0 : i32
      %dma_start3A_12 = tpu.memref_slice %dma_start3A_10[%mul3A_2, %dma_start3A_11] : memref<10240x16xf32, #tpu.memory_space<hbm>> -> memref<640x16xf32, #tpu.memory_space<hbm>>
      %dma_start3A_13 = arith.constant 0 : i32
      %dma_start3A_14 = tpu.memref_slice %arg8[%mul3A_2, %dma_start3A_13] : memref<10240x16xf32, #tpu.memory_space<vmem_shared>> -> memref<640x16xf32, #tpu.memory_space<vmem_shared>>
      tpu.enqueue_dma source(%dma_start3A_14 : memref<640x16xf32, #tpu.memory_space<vmem_shared>>) target(%dma_start3A_12 : memref<640x16xf32, #tpu.memory_space<hbm>>) target_semaphore(%run_scoped3A : memref<!tpu.dma_semaphore, #tpu.memory_space<semaphore_mem>>)
      %dma_wait3A = arith.constant 0 : i32
      %dma_wait3A_15 = arith.constant 0 : i32
      %dma_wait3A_16 = tpu.memref_slice %arg5[%arg0, %dma_wait3A, %dma_wait3A_15] : memref<2x10240x16xf32, #tpu.memory_space<hbm>> -> memref<1x10240x16xf32, #tpu.memory_space<hbm>>
      %dma_wait3A_17 = tpu.memref_squeeze %dma_wait3A_16 : memref<1x10240x16xf32, #tpu.memory_space<hbm>> -> memref<10240x16xf32, #tpu.memory_space<hbm>>
      %dma_wait3A_18 = arith.constant 0 : i32
      %dma_wait3A_19 = tpu.memref_slice %dma_wait3A_17[%mul3A_2, %dma_wait3A_18] : memref<10240x16xf32, #tpu.memory_space<hbm>> -> memref<640x16xf32, #tpu.memory_space<hbm>>
      %dma_wait3A_20 = arith.constant 0 : i32
      %dma_wait3A_21 = tpu.memref_slice %arg8[%mul3A_2, %dma_wait3A_20] : memref<10240x16xf32, #tpu.memory_space<vmem_shared>> -> memref<640x16xf32, #tpu.memory_space<vmem_shared>>
      tpu.wait_dma2 semaphore(%run_scoped3A : memref<!tpu.dma_semaphore, #tpu.memory_space<semaphore_mem>>) src(%dma_wait3A_21 : memref<640x16xf32, #tpu.memory_space<vmem_shared>>) dst(%dma_wait3A_19 : memref<640x16xf32, #tpu.memory_space<hbm>>)
      tpu.yield
    }) : () -> ()
    return
  }
}

module attributes {stable_mosaic.version = 14 : i64} {
  func.func @_tc1_body(%arg0: memref<10000x128xf32, #tpu.memory_space<vmem>>, %arg1: memref<128x128xf32, #tpu.memory_space<vmem>>, %arg2: memref<10000x64xf32, #tpu.memory_space<vmem>>, %arg3: memref<10000x64xf32, #tpu.memory_space<vmem>>) attributes {dimension_semantics = [], scalar_prefetch = 0 : i64, scratch_operands = 0 : i64, tpu.core_type = #tpu.core_type<tc>} {
    %get3A = arith.constant 0 : index
    %get3A_0 = arith.constant 0 : index
    %get3A_1 = vector.load %arg0[%get3A, %get3A_0] : memref<10000x128xf32, #tpu.memory_space<vmem>>, vector<10000x128xf32>
    %get3A_2 = arith.constant 0 : index
    %get3A_3 = arith.constant 0 : index
    %get3A_4 = vector.load %arg1[%get3A_2, %get3A_3] : memref<128x128xf32, #tpu.memory_space<vmem>>, vector<128x128xf32>
    %dot_general3A = arith.constant dense<0.000000e+00> : vector<10000x128xf32>
    %dot_general3A_5 = tpu.matmul %get3A_1, %get3A_4, %dot_general3A {dimension_numbers = #tpu.dot_dimension_numbers<[1], [0], [0], [1], [0, 0, 1, 1], [], []>, transpose_lhs_hint = false} : vector<10000x128xf32>, vector<128x128xf32>, vector<10000x128xf32> -> vector<10000x128xf32>
    %slice3A = vector.extract_strided_slice %dot_general3A_5 {offsets = [0, 0], sizes = [10000, 64], strides = [1, 1]} : vector<10000x128xf32> to vector<10000x64xf32>
    %swap3A = arith.constant 0 : index
    %swap3A_6 = arith.constant 0 : index
    %swap3A_7 = vector.load %arg2[%swap3A, %swap3A_6] : memref<10000x64xf32, #tpu.memory_space<vmem>>, vector<10000x64xf32>
    tpu.vector_store %arg2[%swap3A, %swap3A_6], %slice3A {strides = array<i32>} : memref<10000x64xf32, #tpu.memory_space<vmem>>, vector<10000x64xf32>,
    %slice3A_8 = vector.extract_strided_slice %dot_general3A_5 {offsets = [0, 64], sizes = [10000, 64], strides = [1, 1]} : vector<10000x128xf32> to vector<10000x64xf32>
    %swap3A_9 = arith.constant 0 : index
    %swap3A_10 = arith.constant 0 : index
    %swap3A_11 = vector.load %arg3[%swap3A_9, %swap3A_10] : memref<10000x64xf32, #tpu.memory_space<vmem>>, vector<10000x64xf32>
    tpu.vector_store %arg3[%swap3A_9, %swap3A_10], %slice3A_8 {strides = array<i32>} : memref<10000x64xf32, #tpu.memory_space<vmem>>, vector<10000x64xf32>,
    return
  }
}

module attributes {stable_mosaic.version = 14 : i64} {
  func.func @_tc2_body(%arg0: memref<2x10240x64xf32, #tpu.memory_space<vmem>>, %arg1: memref<2x10240x16xf32, #tpu.memory_space<vmem>>, %arg2: memref<10000x64xf32, #tpu.memory_space<vmem>>, %arg3: memref<1x64xf32, #tpu.memory_space<vmem>>, %arg4: memref<64x16xf32, #tpu.memory_space<vmem>>, %arg5: memref<64x16xf32, #tpu.memory_space<vmem>>, %arg6: memref<10000x16xf32, #tpu.memory_space<vmem>>, %arg7: memref<10000x16xf32, #tpu.memory_space<vmem>>, %arg8: memref<10000x16xf32, #tpu.memory_space<vmem>>) attributes {dimension_semantics = [], scalar_prefetch = 0 : i64, scratch_operands = 0 : i64, tpu.core_type = #tpu.core_type<tc>} {
    %get3A = arith.constant 0 : index
    %get3A_0 = arith.constant 0 : index
    %get3A_1 = arith.constant 0 : index
    %get3A_2 = vector.load %arg0[%get3A, %get3A_0, %get3A_1] : memref<2x10240x64xf32, #tpu.memory_space<vmem>>, vector<1x10000x64xf32>
    %get3A_3 = vector.shape_cast %get3A_2 : vector<1x10000x64xf32> to vector<10000x64xf32>
    %get3A_4 = arith.constant 1 : index
    %get3A_5 = arith.constant 0 : index
    %get3A_6 = arith.constant 0 : index
    %get3A_7 = vector.load %arg0[%get3A_4, %get3A_5, %get3A_6] : memref<2x10240x64xf32, #tpu.memory_space<vmem>>, vector<1x10000x64xf32>
    %get3A_8 = vector.shape_cast %get3A_7 : vector<1x10000x64xf32> to vector<10000x64xf32>
    %add3A = arith.addf %get3A_3, %get3A_8 : vector<10000x64xf32>
    %get3A_9 = arith.constant 0 : index
    %get3A_10 = arith.constant 0 : index
    %get3A_11 = arith.constant 0 : index
    %get3A_12 = vector.load %arg1[%get3A_9, %get3A_10, %get3A_11] : memref<2x10240x16xf32, #tpu.memory_space<vmem>>, vector<1x10000x1xf32>
    %get3A_13 = vector.shape_cast %get3A_12 : vector<1x10000x1xf32> to vector<10000x1xf32>
    %get3A_14 = arith.constant 1 : index
    %get3A_15 = arith.constant 0 : index
    %get3A_16 = arith.constant 0 : index
    %get3A_17 = vector.load %arg1[%get3A_14, %get3A_15, %get3A_16] : memref<2x10240x16xf32, #tpu.memory_space<vmem>>, vector<1x10000x1xf32>
    %get3A_18 = vector.shape_cast %get3A_17 : vector<1x10000x1xf32> to vector<10000x1xf32>
    %add3A_19 = arith.addf %get3A_13, %get3A_18 : vector<10000x1xf32>
    %max3A = arith.constant 1.000000e+00 : f32
    %max3A_20 = vector.broadcast %max3A : f32 to vector<10000x1xf32>
    %max3A_21 = arith.maximumf %add3A_19, %max3A_20 : vector<10000x1xf32>
    %div3A = arith.constant 1.000000e+00 : f32
    %div3A_22 = vector.broadcast %div3A : f32 to vector<10000x1xf32>
    %div3A_23 = arith.divf %div3A_22, %max3A_21 : vector<10000x1xf32>
    %mul3A = vector.broadcast %div3A_23 : vector<10000x1xf32> to vector<10000x64xf32>
    %mul3A_24 = arith.mulf %add3A, %mul3A : vector<10000x64xf32>
    %get3A_25 = arith.constant 0 : index
    %get3A_26 = arith.constant 0 : index
    %get3A_27 = vector.load %arg3[%get3A_25, %get3A_26] : memref<1x64xf32, #tpu.memory_space<vmem>>, vector<1x64xf32>
    %add3A_28 = vector.broadcast %get3A_27 : vector<1x64xf32> to vector<10000x64xf32>
    %add3A_29 = arith.addf %mul3A_24, %add3A_28 : vector<10000x64xf32>
    %get3A_30 = arith.constant 0 : index
    %get3A_31 = arith.constant 0 : index
    %get3A_32 = vector.load %arg2[%get3A_30, %get3A_31] : memref<10000x64xf32, #tpu.memory_space<vmem>>, vector<10000x64xf32>
    %add3A_33 = arith.addf %add3A_29, %get3A_32 : vector<10000x64xf32>
    %max3A_34 = arith.constant 0.000000e+00 : f32
    %max3A_35 = vector.broadcast %max3A_34 : f32 to vector<10000x64xf32>
    %max3A_36 = arith.maximumf %add3A_33, %max3A_35 : vector<10000x64xf32>
    %get3A_37 = arith.constant 0 : index
    %get3A_38 = arith.constant 0 : index
    %get3A_39 = vector.load %arg4[%get3A_37, %get3A_38] : memref<64x16xf32, #tpu.memory_space<vmem>>, vector<64x16xf32>
    %dot_general3A = arith.constant dense<0.000000e+00> : vector<10000x16xf32>
    %dot_general3A_40 = tpu.matmul %max3A_36, %get3A_39, %dot_general3A {dimension_numbers = #tpu.dot_dimension_numbers<[1], [0], [0], [1], [0, 0, 1, 1], [], []>, transpose_lhs_hint = false} : vector<10000x64xf32>, vector<64x16xf32>, vector<10000x16xf32> -> vector<10000x16xf32>
    %swap3A = arith.constant 0 : index
    %swap3A_41 = arith.constant 0 : index
    %swap3A_42 = vector.load %arg6[%swap3A, %swap3A_41] : memref<10000x16xf32, #tpu.memory_space<vmem>>, vector<10000x16xf32>
    tpu.vector_store %arg6[%swap3A, %swap3A_41], %dot_general3A_40 {strides = array<i32>} : memref<10000x16xf32, #tpu.memory_space<vmem>>, vector<10000x16xf32>,
    %get3A_43 = arith.constant 0 : index
    %get3A_44 = arith.constant 0 : index
    %get3A_45 = vector.load %arg5[%get3A_43, %get3A_44] : memref<64x16xf32, #tpu.memory_space<vmem>>, vector<64x16xf32>
    %dot_general3A_46 = arith.constant dense<0.000000e+00> : vector<10000x16xf32>
    %dot_general3A_47 = tpu.matmul %max3A_36, %get3A_45, %dot_general3A_46 {dimension_numbers = #tpu.dot_dimension_numbers<[1], [0], [0], [1], [0, 0, 1, 1], [], []>, transpose_lhs_hint = false} : vector<10000x64xf32>, vector<64x16xf32>, vector<10000x16xf32> -> vector<10000x16xf32>
    %swap3A_48 = arith.constant 0 : index
    %swap3A_49 = arith.constant 0 : index
    %swap3A_50 = vector.load %arg7[%swap3A_48, %swap3A_49] : memref<10000x16xf32, #tpu.memory_space<vmem>>, vector<10000x16xf32>
    tpu.vector_store %arg7[%swap3A_48, %swap3A_49], %dot_general3A_47 {strides = array<i32>} : memref<10000x16xf32, #tpu.memory_space<vmem>>, vector<10000x16xf32>,
    %broadcast_in_dim3A = vector.shape_cast %div3A_23 : vector<10000x1xf32> to vector<10000x1xf32>
    %broadcast_in_dim3A_51 = vector.broadcast %broadcast_in_dim3A : vector<10000x1xf32> to vector<10000x16xf32>
    %swap3A_52 = arith.constant 0 : index
    %swap3A_53 = arith.constant 0 : index
    %swap3A_54 = vector.load %arg8[%swap3A_52, %swap3A_53] : memref<10000x16xf32, #tpu.memory_space<vmem>>, vector<10000x16xf32>
    tpu.vector_store %arg8[%swap3A_52, %swap3A_53], %broadcast_in_dim3A_51 {strides = array<i32>} : memref<10000x16xf32, #tpu.memory_space<vmem>>, vector<10000x16xf32>,
    return
  }
}

module attributes {stable_mosaic.version = 14 : i64} {
  func.func @_tc3_body(%arg0: memref<2x10240x16xf32, #tpu.memory_space<vmem>>, %arg1: memref<10000x16xf32, #tpu.memory_space<vmem>>, %arg2: memref<10000x16xf32, #tpu.memory_space<vmem>>, %arg3: memref<1x16xf32, #tpu.memory_space<vmem>>, %arg4: memref<10000x16xf32, #tpu.memory_space<vmem>>) attributes {dimension_semantics = [], scalar_prefetch = 0 : i64, scratch_operands = 0 : i64, tpu.core_type = #tpu.core_type<tc>} {
    %get3A = arith.constant 0 : index
    %get3A_0 = arith.constant 0 : index
    %get3A_1 = arith.constant 0 : index
    %get3A_2 = vector.load %arg0[%get3A, %get3A_0, %get3A_1] : memref<2x10240x16xf32, #tpu.memory_space<vmem>>, vector<1x10000x16xf32>
    %get3A_3 = vector.shape_cast %get3A_2 : vector<1x10000x16xf32> to vector<10000x16xf32>
    %get3A_4 = arith.constant 1 : index
    %get3A_5 = arith.constant 0 : index
    %get3A_6 = arith.constant 0 : index
    %get3A_7 = vector.load %arg0[%get3A_4, %get3A_5, %get3A_6] : memref<2x10240x16xf32, #tpu.memory_space<vmem>>, vector<1x10000x16xf32>
    %get3A_8 = vector.shape_cast %get3A_7 : vector<1x10000x16xf32> to vector<10000x16xf32>
    %add3A = arith.addf %get3A_3, %get3A_8 : vector<10000x16xf32>
    %get3A_9 = arith.constant 0 : index
    %get3A_10 = arith.constant 0 : index
    %get3A_11 = vector.load %arg1[%get3A_9, %get3A_10] : memref<10000x16xf32, #tpu.memory_space<vmem>>, vector<10000x16xf32>
    %mul3A = arith.mulf %add3A, %get3A_11 : vector<10000x16xf32>
    %get3A_12 = arith.constant 0 : index
    %get3A_13 = arith.constant 0 : index
    %get3A_14 = vector.load %arg2[%get3A_12, %get3A_13] : memref<10000x16xf32, #tpu.memory_space<vmem>>, vector<10000x16xf32>
    %add3A_15 = arith.addf %mul3A, %get3A_14 : vector<10000x16xf32>
    %get3A_16 = arith.constant 0 : index
    %get3A_17 = arith.constant 0 : index
    %get3A_18 = vector.load %arg3[%get3A_16, %get3A_17] : memref<1x16xf32, #tpu.memory_space<vmem>>, vector<1x16xf32>
    %add3A_19 = vector.broadcast %get3A_18 : vector<1x16xf32> to vector<10000x16xf32>
    %add3A_20 = arith.addf %add3A_15, %add3A_19 : vector<10000x16xf32>
    %swap3A = arith.constant 0 : index
    %swap3A_21 = arith.constant 0 : index
    %swap3A_22 = vector.load %arg4[%swap3A, %swap3A_21] : memref<10000x16xf32, #tpu.memory_space<vmem>>, vector<10000x16xf32>
    tpu.vector_store %arg4[%swap3A, %swap3A_21], %add3A_20 {strides = array<i32>} : memref<10000x16xf32, #tpu.memory_space<vmem>>, vector<10000x16xf32>,
    return
  }
}

</mosaic_0001>

<sc_bundles>
// kernel: kernel.11.cloned.1.call-start
scs
__scs_entry_jumppad:
0x0: {  	(pc) =	sbr.rel $0x88, $3  }
0x1: {  	(tag) =	ssettag $0x0;
	lr =	simm.s32 $0x1  }
0x2: {  	[smem:$0x3F99] =	sst lr;
	_ =	strace $0xD0000000  }
0x3: {  	_ = 	snop  }
0x4: {  	_ = 	snop  }
0x5: {  	_ = 	snop  }
0x6: {  	_ = 	snop  }
0x7: {  	_ = 	snop  }
__scs_overlays_trampoline_lowered:
0x8: {  	[smem:$0x3FA8] =	sst s0  }
0x9: {  	[smem:$0x3FA9] =	sst s1  }
0xa: {  	[smem:$0x3FAA] =	sst s2  }
0xb: {  	[smem:$0x3FAB] =	sst s3  }
0xc: {  	[smem:$0x3FAC] =	sst s4  }
0xd: {  	[smem:$0x3FAD] =	sst s5  }
0xe: {  	[smem:$0x3FAE] =	sst s6  }
0xf: {  	[smem:$0x3FAF] =	sst s7  }
0x10: {  	[smem:$0x3FB0] =	sst s8  }
0x11: {  	[smem:$0x3FB1] =	sst s9;
	s0 =	simm.s32 @!p0 $0x0  }
0x12: {  	s1 =	sld [smem:$0x3F97];
	s0 =	simm.s32 @p0 $0x1  }
0x13: {  	[smem:$0x3FB2] =	sst s0;
	s0 =	simm.s32 @!p1 $0x0  }
0x14: {  	s2 =	sld [smem:$0x3F96];
	s0 =	simm.s32 @p1 $0x1  }
0x15: {  	[smem:$0x3FB3] =	sst s0;
	s0 =	simm.s32 @!p2 $0x0  }
0x16: {  	s3 =	sld [smem:$0x3FDB];
	s0 =	simm.s32 @p2 $0x1  }
0x17: {  	s4 =	simm.s32 $0x1BF5;
	[smem:$0x3FB5] =	sst s0  }
0x18: {  	s0 =	sld [smem:$0x3F98];
	_ =	swait.ge [sflag:s4], $0x0  }
0x19: {  	s7 =	sld [smem:$0x3F99]  }
0x1a: {  	s8 =	sadd.s32 $0xFFFFE003, lr  }
0x1b: {  	s9 =	sadd.s32 $0xFFFFFEF7, lr;
	s5 =	simm.s32 $0xFFFFFFFF;
	p2 =	slt.u32 s8, $0xFFFFF086  }
0x1c: {  	p1 =	slt.u32 s9, $0xF7A;
	s5 =	simm.s32 @!p2 $0x0  }
0x1d: {  	s5 =	simm.s32 @p1 $0x1;
	p0 =	seq.s32 s7, s2  }
0x1e: {  	s7 =	smul.u32 @!p0 $0xF7A, s2;
	p2 =	seq.s32 @!p0 s5, $0x0  }
0x1f: {  	s9 =	smul.u32 $0xF7A, s1;
	s8 =	simm.s32 @!p0 $0x1BF5;
	p2 =	por !p2, p0  }
0x20: {  	[sflag:s8] =	ssyncset.s32 @!p0 $0xFFFFF086;
	s6 =	sadd.s32 @!p0 s3, s7;
	s7 =	simm.s32 @!p0 $0x108  }
0x21: {  	s3 =	sadd.s32 s3, s9;
	s6 =	sadd.s32 @!p0 $0x88, s6;
	s7 =	simm.s32 @p2 $0x1082  }
0x22: {  	[simem:s7], [sflag:s8] =	dma.local @!p0 [hbm:s6], $0xF7A  }
0x23: {  	s9 =	sor.u32 $0xD0000000, s2;
	s6 =	simm.s32 $0x108;
	_ =	swait.ge @!p0 [sflag:s8], $0x0  }
0x24: {  	s3 =	sadd.s32 $0x88, s3;
	s6 =	simm.s32 @!p1 $0x1082;
	[sflag:s4] =	ssyncset.s32 $0xFFFFF086  }
0x25: {  	[simem:s6], [sflag:s4] =	dma.local [hbm:s3], $0xF7A  }
0x26: {  	[smem:$0x3F99] =	sst s1;
	(tag) =	ssettag s2;
	_ =	strace s9  }
0x27: {  	s1 =	sld [smem:$0x3FA9]  }
0x28: {  	s2 =	sld [smem:$0x3FAA]  }
0x29: {  	s4 =	sld [smem:$0x3FAC]  }
0x2a: {  	p0 =	seq.s32 s5, $0x0;
	s5 =	sld [smem:$0x3FAD]  }
0x2b: {  	s6 =	sld [smem:$0x3FAE]  }
0x2c: {  	s7 =	sld [smem:$0x3FAF]  }
0x2d: {  	s3 =	simm.s32 $0x108;
	s8 =	sld [smem:$0x3FB0]  }
0x2e: {  	s3 =	simm.s32 @!p0 $0x1082;
	s9 =	sld [smem:$0x3FB1]  }
0x2f: {  	lr =	sadd.s32 s0, s3;
	s0 =	sld [smem:$0x3FA8]  }
0x30: {  	s3 =	sld [smem:$0x3FAB]  }
0x31: {  	[smem:$0x3FB4] =	sst s10  }
0x32: {  	s10 =	sld [smem:$0x3FB2];
	_ =	sdelay $0x3  }
0x33: {  	p0 =	seq.s32 s10, $0x1;
	s10 =	sld [smem:$0x3FB4];
	_ =	sdelay $0x3  }
0x34: {  	[smem:$0x3FB4] =	sst s10  }
0x35: {  	s10 =	sld [smem:$0x3FB3];
	_ =	sdelay $0x3  }
0x36: {  	p1 =	seq.s32 s10, $0x1;
	s10 =	sld [smem:$0x3FB4];
	_ =	sdelay $0x3  }
0x37: {  	[smem:$0x3FB4] =	sst s10  }
0x38: {  	s10 =	sld [smem:$0x3FB5]  }
0x39: {  	_ = 	snop;
	(pc) =	sbr.ind lr, $3  }
0x3a: {  	_ = 	snop  }
0x3b: {  	_ = 	snop  }
0x3c: {  	p2 =	seq.s32 s10, $0x1;
	s10 =	sld [smem:$0x3FB4]  }
0x3d: {  	_ =	shalt  }
0x3e: {  	_ =	shalt  }
0x3f: {  	_ =	shalt  }
0x40: {  	_ =	shalt  }
0x41: {  	_ =	shalt  }
0x42: {  	_ =	shalt  }
0x43: {  	_ =	shalt  }
0x44: {  	_ =	shalt  }
0x45: {  	_ =	shalt  }
0x46: {  	_ =	shalt  }
0x47: {  	_ =	shalt  }
0x48: {  	_ =	shalt  }
0x49: {  	_ =	shalt  }
0x4a: {  	_ =	shalt  }
0x4b: {  	_ =	shalt  }
0x4c: {  	_ =	shalt  }
0x4d: {  	_ =	shalt  }
0x4e: {  	_ =	shalt  }
0x4f: {  	_ =	shalt  }
0x50: {  	_ =	shalt  }
0x51: {  	_ =	shalt  }
0x52: {  	_ =	shalt  }
0x53: {  	_ =	shalt  }
0x54: {  	_ =	shalt  }
0x55: {  	_ =	shalt  }
0x56: {  	_ =	shalt  }
0x57: {  	_ =	shalt  }
0x58: {  	_ =	shalt  }
0x59: {  	_ =	shalt  }
0x5a: {  	_ =	shalt  }
0x5b: {  	_ =	shalt  }
0x5c: {  	_ =	shalt  }
0x5d: {  	_ =	shalt  }
0x5e: {  	_ =	shalt  }
0x5f: {  	_ =	shalt  }
0x60: {  	_ =	shalt  }
0x61: {  	_ =	shalt  }
0x62: {  	_ =	shalt  }
0x63: {  	_ =	shalt  }
0x64: {  	_ =	shalt  }
0x65: {  	_ =	shalt  }
0x66: {  	_ =	shalt  }
0x67: {  	_ =	shalt  }
0x68: {  	_ =	shalt  }
0x69: {  	_ =	shalt  }
0x6a: {  	_ =	shalt  }
0x6b: {  	_ =	shalt  }
0x6c: {  	_ =	shalt  }
0x6d: {  	_ =	shalt  }
0x6e: {  	_ =	shalt  }
0x6f: {  	_ =	shalt  }
0x70: {  	_ =	shalt  }
0x71: {  	_ =	shalt  }
0x72: {  	_ =	shalt  }
0x73: {  	_ =	shalt  }
0x74: {  	_ =	shalt  }
0x75: {  	_ =	shalt  }
0x76: {  	_ =	shalt  }
0x77: {  	_ =	shalt  }
0x78: {  	_ =	shalt  }
0x79: {  	_ =	shalt  }
0x7a: {  	_ =	shalt  }
0x7b: {  	_ =	shalt  }
0x7c: {  	_ =	shalt  }
0x7d: {  	_ =	shalt  }
0x7e: {  	_ =	shalt  }
0x7f: {  	_ =	shalt  }
0x80: {  	_ =	shalt  }
0x81: {  	_ =	shalt  }
0x82: {  	_ =	shalt  }
0x83: {  	_ =	shalt  }
0x84: {  	_ =	shalt  }
0x85: {  	_ =	shalt  }
0x86: {  	_ =	shalt  }
0x87: {  	_ =	shalt  }
.Lfunc_end0:
.L_simem_size_0:
called_computation.1_lowered:
.L_overlay_start_0:
0x88: {  	s2 =	sld [smem:$0x3FD9]  }
0x89: {  	s3 =	sld [smem:$0x3FFE];
	_ =	sdelay $0x1  }
0x8a: {  	s1 =	srdreg.scid  }
0x8b: {  	s0 =	sand.u32 $0x1, s1  }
0x8c: {  	s16 =	sshll.u32 s0, $0xA;
	s2 =	sadd.s32 s3, s2  }
0x8d: {  	s2 =	sadd.s32 s2, s16  }
0x8e: {  	[smem:$0x3FC0] =	sst s2  }
0x8f: {  	_ = 	snop  }
0x90: {  	(tm) =	ssettm $0x1  }
0x91: {  	s17 =	sld [smem:$0x3FFB];
	_ =	sdelay $0x3  }
0x92: {  	_ =	strace s17  }
0x93: {  	s2 =	sld [smem:$0x3FFC];
	_ =	sdelay $0x3  }
0x94: {  	_ =	strace s2  }
0x95: {  	s2 =	sld [smem:$0x3FFD];
	_ =	sdelay $0x3  }
0x96: {  	_ =	strace s2  }
0x97: {  	_ =	strace $0x8FFFFFFF  }
0x98: {  	s18 =	sld [smem:$0x3FDB];
	_ =	sdelay $0x1  }
0x99: {  	s19 =	simm.s32 $_scs_section_size  }
0x9a: {  	s4 =	simm.s32 $_size__tile_overlayer_lowered;
	s5 =	simm.s32 $_tile_overlayer_lowered  }
0x9b: {  	s22 =	simm.s32 $0x1BFF;
	s21 =	sshll.u32 s5, $0x1;
	s2 =	sadd.s32 s19, s18  }
0x9c: {  	s6 =	simm.s32 $0x0;
	s20 =	sshll.u32 s4, $0x1;
	s4 =	sadd.s32 s21, s2  }
0x9d: {  	[timem:s6], [sflag:s22] =	dma.local [hbm:s4], s20  }
0x9e: {  	_ =	swait.ge [sflag:s22], s20  }
0x9f: {  	s3 =	ssub.s32 $0x0, s20;
	[sflag:s22] =	ssyncset.done $0x0  }
0xa0: {  	[sflag:s22] =	ssyncadd.s32 s3;
	_ =	sdelay $0x1  }
0xa1: {  	s23 =	simm.s32 $0x1B8B  }
0xa2: {  	_ =	swait.ge [sflag:s23], $0x1  }
0xa3: {  	[sflag:s23] =	ssyncset.done $0x0  }
0xa4: {  	s25 =	simm.s32 $0x1B8E;
	s24 =	sld [smem:$0x3FFE];
	[sflag:s23] =	ssyncadd.s32 $0xFFFFFFFF  }
0xa5: {  	s26 =	simm.s32 $execute0_lowered;
	[smem:$0x3FD2] =	sst s25  }
0xa6: {  	s4 =	sshll.u32 s26, $0x1;
	_ =	strace $0x80000046;
	[dreg:$0x1] =	wrdreg $0xFFFFFFFF  }
0xa7: {  	s28 =	simm.s32 $_size_execute0_lowered;
	s2 =	sadd.s32 s2, s4;
	[dreg:$0x0] =	wrdreg $0x0  }
0xa8: {  	s4 =	sshll.u32 s28, $0x1;
	[dreg:$0x2] =	wrdreg s2  }
0xa9: {  	[dreg:$0x3] =	wrdreg s4  }
0xaa: {  	[dreg:$0x4] =	wrdreg $0xC0  }
0xab: {  	_ =	task [dreg:s6], $0x5FFFF  }
0xac: {  	[dreg:$0x1] =	wrdreg $0xFFFFFFFF  }
0xad: {  	[dreg:$0x0] =	wrdreg $0x60  }
0xae: {  	[dreg:$0x2] =	wrdreg s24  }
0xaf: {  	[dreg:$0x3] =	wrdreg $0xB1000  }
0xb0: {  	[dreg:$0x4] =	wrdreg $0x151000  }
0xb1: {  	[dreg:$0x5] =	wrdreg $0xA  }
0xb2: {  	_ =	task.clear_ibuf [dreg:s6], $0x6FFFF;
	_ =	strace $0x90000046  }
0xb3: {  	s29 =	simm.s32 $0xA;
	_ =	strace $0x80000048  }
0xb4: {  	_ =	swait.ge [sflag:s29], $0x1  }
0xb5: {  	[sflag:s29] =	ssyncadd.s32 $0xFFFFFFFF  }
0xb6: {  	_ =	strace $0x90000048  }
0xb7: {  	_ =	sfence  }
0xb8: {  	s30 =	sld [smem:$0x0];
	_ =	sdelay $0x2  }
0xb9: {  	s31 =	sshll.u32 s1, $0xD;
	s1 =	sshrl.u32 s1, $0x2  }
0xba: {  	s3 =	sand.u32 $0x4000, s31;
	s1 =	sadd.s32 s1, s30  }
0xbb: {  	s0 =	sor.u32 s3, s0;
	s1 =	sshll.u32 s1, $0x11  }
0xbc: {  	s0 =	sor.u32 s1, s0  }
0xbd: {  	s0 =	sadd.s32 $0x8F2B, s0  }
0xbe: {  	[sflag:s0] =	ssyncadd.remote.s32 $0x1  }
0xbf: {  	_ =	sfence.sel $0xFFFF  }
0xc0: {  	[dreg:$0x0] =	wrdreg $0xFFFFFFFF;
	(pc) =	sbr.abs _section_cstart, $3  }
0xc1: {  	[dreg:$0x1] =	wrdreg $0xFFFFFFFF  }
0xc2: {  	_ =	task.clear_ibuf [dreg:s6], $0x2FFFF;
	_ =	strace $0x9FFFFFFF  }
0xc3: {  	(tm) =	ssettm $0x7FFFFFFF  }
tec
execute0_lowered:
.L_overlay_start_1:
0x0: {  	(tag) =	ssettag $0x1  }
0x1: {  	s6 =	rddreg [dreg:$0x0]  }
0x2: {  	s1 =	rddreg [dreg:$0x1];
	s0 =	srdreg.scid  }
0x3: {  	s3 =	rddreg [dreg:$0x2];
	s2 =	stileid.u32;
	s4 =	simm.s32 $0x0  }
0x4: {  	s16 =	simm.s32 $0x5100;
	s17 =	simm.s32 $0x8100;
	s18 =	simm.s32 $0x1  }
0x5: {  	s19 =	simm.s32 $0x2;
	s20 =	simm.s32 $0x27C0;
	s21 =	simm.s32 $0x4F80  }
0x6: {  	s7 =	sand.u32 $0x1, s0;
	s0 =	rddreg [dreg:$0x3];
	s8 =	smul.u32 $0x9C40, s2  }
0x7: {  	s22 =	simm.s32 $0x5040;
	[smem:$0x7FF] =	sst s4;
	s12 =	smul.u32 $0xA000, s2  }
0x8: {  	s13 =	sshll.u32 s2, $0x6;
	s5 =	sshll.u32 s7, $0x4;
	_ =	strace $0x80000047  }
0x9: {  	s11 =	smul.u32 $0x14000, s7;
	s7 =	ssub.s32 $0x2, s7;
	s5 =	sor.u32 s2, s5  }
0xa: {  	s9 =	sshrl.u32 s8, $0x3;
	s30 =	sshrl.u32 s7, $0x1;
	s15 =	sadd.s32 s12, s1  }
0xb: {  	s31 =	sadd.s32 s8, s3;
	s24 =	sshrl.u32 s12, $0x3;
	s12 =	simm.s32 $0x3  }
0xc: {  	s5 =	smul.u32 $0x510, s5;
	s9 =	sadd.s32 s9, s6;
	s11 =	sadd.s32 s11, s6  }
0xd: {  	s14 =	ssub.s32 s7, s30;
	s7 =	sadd.s32 $0xE00, s9;
	s23 =	sadd.s32 $0x2A000, s11  }
0xe: {  	s11 =	sshrl.u32 s15, $0x3;
	s15 =	simm.s32 $0xC0;
	s10 =	sadd.s32 s5, s6  }
0xf: {  	s5 =	sadd.s32 $0x28C00, s6;
	s6 =	sor.u32 $0x1C03, s13;
	s13 =	sshrl.u32 s31, $0x3  }
0x10: {  	s23 =	sadd.s32 s24, s23;
	s24 =	simm.s32 $0x0;
	s8 =	sadd.s32 $0x1EA00, s10  }
0x11: {  	s9 =	sadd.s32 $0x14800, s10;
	s10 =	smax.u32 s14, $0x1;
	s14 =	simm.s32 $0x2880  }
.LBB2_1:
0x12: {  	[spmem:s11], [sflag:s6] =	dma.local [hbm:s5], $0x1400  }
0x13: {  	_ =	swait.ge [sflag:s12], $0x1400  }
0x14: {  	[sflag:s12] =	ssyncset.done $0x0  }
0x15: {  	[sflag:s12] =	ssyncadd.s32 $0xFFFFEC00  }
0x16: {  	[spmem:s13], [sflag:s6] =	dma.local [hbm:s7], $0x1388  }
0x17: {  	_ =	swait.ge [sflag:s12], $0x1388  }
0x18: {  	[sflag:s12] =	ssyncset.done $0x0  }
0x19: {  	[sflag:s12] =	ssyncadd.s32 $0xFFFFEC78  }
0x1a: {  	[tilespmem:s4], [sflag:$0x3] =	stream.linear.gather [hbm4b:s8+s4], $0x2880, $0x38;
	[tilespmem:$0x1ED40] =	vst v63  }
0x1b: {  	_ =	swait.ge [sflag:s12], $0x2880  }
0x1c: {  	[sflag:s12] =	ssyncset.done $0x0  }
0x1d: {  	[sflag:s12] =	ssyncadd.s32 $0xFFFFD780  }
0x1e: {  	[tilespmem:s14], [sflag:$0x3] =	stream.linear.gather [hbm4b:s9+s4], $0x2880, $0x38;
	[tilespmem:$0x1ED40] =	vst v63  }
0x1f: {  	_ =	swait.ge [sflag:s12], $0x2880  }
0x20: {  	[sflag:s12] =	ssyncset.done $0x0  }
0x21: {  	[sflag:s12] =	ssyncadd.s32 $0xFFFFD780  }
0x22: {  	[bflag:$0x0] =	sbarrier.arrive $0xFFFF  }
0x23: {  	[tilespmem:s16], [sflag:$0x1] =	stream.indirect.gather [spmem:s3], $0x40, s4, s15, $0xb8;
	[tilespmem:$0x1ED40] =	vst v63  }
0x24: {  	s25 =	simm.s32 $0xC0  }
0x25: {  	[tilespmem:s17], [sflag:$0x2] =	stream.indirect.gather [spmem:s3], $0x40, s25, s15, $0xb8;
	[tilespmem:$0x1ED40] =	vst v63  }
0x26: {  	_ =	swait.ge [sflag:s18], $0x3000  }
0x27: {  	[sflag:s18] =	ssyncset.done $0x0  }
0x28: {  	s29 =	simm.s32 $0x2880;
	[sflag:s18] =	ssyncadd.s32 $0xFFFFD000  }
0x29: {  	[spmem:s1] =	stream.indirect.scatter.add.f32 [tilespmem:s16], [sflag:$0x3], $0x40, s29, s15, $0xb8;
	[tilespmem:$0x1ED40] =	vst v63  }
0x2a: {  	_ =	swait.ge [sflag:s12], $0x3000  }
0x2b: {  	[sflag:s12] =	ssyncset.done $0x0  }
0x2c: {  	s30 =	simm.s32 $0x180;
	[sflag:s12] =	ssyncadd.s32 $0xFFFFD000  }
0x2d: {  	[tilespmem:s16], [sflag:$0x1] =	stream.indirect.gather [spmem:s3], $0x40, s30, s15, $0xb8;
	[tilespmem:$0x1ED40] =	vst v63  }
0x2e: {  	_ =	swait.ge [sflag:s19], $0x3000  }
0x2f: {  	[sflag:s19] =	ssyncset.done $0x0  }
0x30: {  	s31 =	simm.s32 $0x2940;
	[sflag:s19] =	ssyncadd.s32 $0xFFFFD000  }
0x31: {  	[spmem:s1] =	stream.indirect.scatter.add.f32 [tilespmem:s17], [sflag:$0x3], $0x40, s31, s15, $0xb8;
	[tilespmem:$0x1ED40] =	vst v63  }
0x32: {  	_ =	swait.ge [sflag:s12], $0x3000  }
0x33: {  	s26 =	simm.s32 $0xC00;
	s25 =	simm.s32 $0x180;
	[sflag:s12] =	ssyncset.done $0x0  }
.LBB2_2:
0x34: {  	s28 =	sadd.s32 $0xC0, s25  }
0x35: {  	[sflag:s12] =	ssyncadd.s32 $0xFFFFD000;
	s29 =	smov.u32 s26;
	s30 =	sadd.s32 $0x600, s26  }
0x36: {  	[tilespmem:s17], [sflag:$0x2] =	stream.indirect.gather [spmem:s3], $0x40, s28, s15, $0xb8;
	[tilespmem:$0x1ED40] =	vst v63  }
0x37: {  	p0 =	sne.s32 s26, $0x9600;
	_ =	swait.ge [sflag:s18], $0x3000  }
0x38: {  	[sflag:s18] =	ssyncset.done $0x0  }
0x39: {  	s26 =	sadd.s32 $0x2880, s25;
	[sflag:s18] =	ssyncadd.s32 $0xFFFFD000  }
0x3a: {  	[spmem:s1] =	stream.indirect.scatter.add.f32 [tilespmem:s16], [sflag:$0x3], $0x40, s26, s15, $0xb8;
	[tilespmem:$0x1ED40] =	vst v63  }
0x3b: {  	_ =	swait.ge [sflag:s12], $0x3000  }
0x3c: {  	[sflag:s12] =	ssyncset.done $0x0  }
0x3d: {  	s26 =	sadd.s32 $0x180, s25;
	[sflag:s12] =	ssyncadd.s32 $0xFFFFD000  }
0x3e: {  	[tilespmem:s16], [sflag:$0x1] =	stream.indirect.gather [spmem:s3], $0x40, s26, s15, $0xb8;
	[tilespmem:$0x1ED40] =	vst v63  }
0x3f: {  	_ =	swait.ge [sflag:s19], $0x3000  }
.Ltmp0:
0x40: {  	[sflag:s19] =	ssyncset.done $0x0;
	(pc) =	sbr.rel @p0 .LBB2_2-.Ltmp0, $4  }
0x41: {  	s25 =	sadd.s32 $0x2940, s25;
	[sflag:s19] =	ssyncadd.s32 $0xFFFFD000  }
0x42: {  	[spmem:s1] =	stream.indirect.scatter.add.f32 [tilespmem:s17], [sflag:$0x3], $0x40, s25, s15, $0xb8;
	[tilespmem:$0x1ED40] =	vst v63  }
0x43: {  	_ =	swait.ge [sflag:s12], $0x3000  }
0x44: {  	s26 =	smov.u32 s30;
	s25 =	sshra.s32 s29, $0x2;
	[sflag:s12] =	ssyncset.done $0x0  }
0x45: {  	s26 =	sadd.s32 $0xC0, s25;
	[sflag:s12] =	ssyncadd.s32 $0xFFFFD000  }
0x46: {  	[tilespmem:s17], [sflag:$0x2] =	stream.indirect.gather [spmem:s3], $0x40, s26, s15, $0xb8;
	[tilespmem:$0x1ED40] =	vst v63  }
0x47: {  	_ =	swait.ge [sflag:s18], $0x3000  }
0x48: {  	[sflag:s18] =	ssyncset.done $0x0  }
0x49: {  	s29 =	sadd.s32 $0x2880, s25;
	[sflag:s18] =	ssyncadd.s32 $0xFFFFD000  }
0x4a: {  	[spmem:s1] =	stream.indirect.scatter.add.f32 [tilespmem:s16], [sflag:$0x3], $0x40, s29, s15, $0xb8;
	[tilespmem:$0x1ED40] =	vst v63  }
0x4b: {  	_ =	swait.ge [sflag:s12], $0x3000  }
0x4c: {  	[sflag:s12] =	ssyncset.done $0x0  }
0x4d: {  	s30 =	sadd.s32 $0x180, s25;
	[sflag:s12] =	ssyncadd.s32 $0xFFFFD000  }
0x4e: {  	[tilespmem:s16], [sflag:$0x1] =	stream.indirect.gather [spmem:s3], $0x40, s30, s15, $0xb8;
	[tilespmem:$0x1ED40] =	vst v63  }
0x4f: {  	_ =	swait.ge [sflag:s19], $0x3000  }
0x50: {  	[sflag:s19] =	ssyncset.done $0x0  }
0x51: {  	s31 =	sadd.s32 $0x2940, s25;
	[sflag:s19] =	ssyncadd.s32 $0xFFFFD000  }
0x52: {  	[spmem:s1] =	stream.indirect.scatter.add.f32 [tilespmem:s17], [sflag:$0x3], $0x40, s31, s15, $0xb8;
	[tilespmem:$0x1ED40] =	vst v63  }
0x53: {  	_ =	swait.ge [sflag:s12], $0x3000  }
0x54: {  	[sflag:s12] =	ssyncset.done $0x0  }
0x55: {  	[sflag:s12] =	ssyncadd.s32 $0xFFFFD000  }
0x56: {  	[tilespmem:s17], [sflag:$0x2] =	stream.indirect.gather [spmem:s3], $0x40, s20, s15, $0xb8;
	[tilespmem:$0x1ED40] =	vst v63  }
0x57: {  	_ =	swait.ge [sflag:s18], $0x3000  }
0x58: {  	[sflag:s18] =	ssyncset.done $0x0  }
0x59: {  	[sflag:s18] =	ssyncadd.s32 $0xFFFFD000  }
0x5a: {  	[spmem:s1] =	stream.indirect.scatter.add.f32 [tilespmem:s16], [sflag:$0x3], $0x40, s21, s15, $0xb8;
	[tilespmem:$0x1ED40] =	vst v63  }
0x5b: {  	_ =	swait.ge [sflag:s12], $0x3000  }
0x5c: {  	[sflag:s12] =	ssyncset.done $0x0  }
0x5d: {  	[sflag:s12] =	ssyncadd.s32 $0xFFFFD000  }
0x5e: {  	_ =	swait.ge [sflag:s19], $0x3000  }
0x5f: {  	[sflag:s19] =	ssyncset.done $0x0  }
0x60: {  	[sflag:s19] =	ssyncadd.s32 $0xFFFFD000  }
0x61: {  	[spmem:s1] =	stream.indirect.scatter.add.f32 [tilespmem:s17], [sflag:$0x3], $0x40, s22, s15, $0xb8;
	[tilespmem:$0x1ED40] =	vst v63  }
0x62: {  	_ =	swait.ge [sflag:s12], $0x3000  }
0x63: {  	s24 =	sadd.s32 $0x1, s24;
	[sflag:s12] =	ssyncset.done $0x0  }
0x64: {  	p0 =	sne.s32 s24, s10;
	[sflag:s12] =	ssyncadd.s32 $0xFFFFD000  }
.Ltmp1:
0x65: {  	[bflag:$0x0] =	sbarrier.arrive $0xFFFF;
	(pc) =	sbr.rel @p0 .LBB2_1-.Ltmp1, $4  }
0x66: {  	[hbm:s23], [sflag:s6] =	dma.local [spmem:s11], $0x1400  }
0x67: {  	_ =	swait.ge [sflag:s12], $0x1400  }
0x68: {  	[sflag:s12] =	ssyncset.done $0x0  }
0x69: {  	[sflag:s12] =	ssyncadd.s32 $0xFFFFEC00  }
0x6a: {  	_ =	sfence.sel $0x180000  }
0x6b: {  	[bflag:$0x0] =	sbarrier.arrive $0xFFFF  }
0x6c: {  	p0 =	sne.s32 s2, $0x0;
	_ =	strace $0x90000047  }
0x6d: {  	s0 =	sadd.s32 @!p0 $0x100000, s0;
	[bflag:$0x2] =	sbarrier.arrive $0xFFFF  }
0x6e: {  	[sflag:s0] =	ssyncadd.tile.s32 @!p0 $0x1;
	_ =	shalt  }
.Lfunc_end2:
_tile_overlayer_lowered:
.L_overlay_start_2:
0x6f: {  	(tag) =	ssettag $0x2  }
0x70: {  	s0 =	rddreg [dreg:$0x0];
	s2 =	stileid.u32  }
0x71: {  	s1 =	rddreg [dreg:$0x1];
	p0 =	sne.s32 s2, $0x0  }
0x72: {  	s3 =	rddreg [dreg:$0x2];
	[bflag:$0x3] =	sbarrier.arrive $0xFFFF;
	s2 =	simm.s32 @!p0 $0x1C03  }
0x73: {  	[timem:s3], [sflag:s2] =	dma.local @!p0 [hbm:s0], s1  }
0x74: {  	s0 =	simm.s32 @!p0 $0x3  }
0x75: {  	_ =	swait.ge @!p0 [sflag:s0], s1  }
0x76: {  	s1 =	ssub.s32 @!p0 $0x0, s1;
	[sflag:s0] =	ssyncset.done @!p0 $0x0  }
0x77: {  	[sflag:s0] =	ssyncadd.s32 @!p0 s1  }
0x78: {  	[bflag:$0x3] =	sbarrier.arrive $0xFFFF  }
0x79: {  	_ =	shalt  }

// kernel: kernel.14.cloned.1.call-start
scs
__scs_entry_jumppad:
0x0: {  	(pc) =	sbr.rel $0x88, $3  }
0x1: {  	(tag) =	ssettag $0x0;
	lr =	simm.s32 $0x1  }
0x2: {  	[smem:$0x3F99] =	sst lr;
	_ =	strace $0xD0000000  }
0x3: {  	_ = 	snop  }
0x4: {  	_ = 	snop  }
0x5: {  	_ = 	snop  }
0x6: {  	_ = 	snop  }
0x7: {  	_ = 	snop  }
__scs_overlays_trampoline_lowered:
0x8: {  	[smem:$0x3FA8] =	sst s0  }
0x9: {  	[smem:$0x3FA9] =	sst s1  }
0xa: {  	[smem:$0x3FAA] =	sst s2  }
0xb: {  	[smem:$0x3FAB] =	sst s3  }
0xc: {  	[smem:$0x3FAC] =	sst s4  }
0xd: {  	[smem:$0x3FAD] =	sst s5  }
0xe: {  	[smem:$0x3FAE] =	sst s6  }
0xf: {  	[smem:$0x3FAF] =	sst s7  }
0x10: {  	[smem:$0x3FB0] =	sst s8  }
0x11: {  	[smem:$0x3FB1] =	sst s9;
	s0 =	simm.s32 @!p0 $0x0  }
0x12: {  	s1 =	sld [smem:$0x3F97];
	s0 =	simm.s32 @p0 $0x1  }
0x13: {  	[smem:$0x3FB2] =	sst s0;
	s0 =	simm.s32 @!p1 $0x0  }
0x14: {  	s2 =	sld [smem:$0x3F96];
	s0 =	simm.s32 @p1 $0x1  }
0x15: {  	[smem:$0x3FB3] =	sst s0;
	s0 =	simm.s32 @!p2 $0x0  }
0x16: {  	s3 =	sld [smem:$0x3FDB];
	s0 =	simm.s32 @p2 $0x1  }
0x17: {  	s4 =	simm.s32 $0x1BF5;
	[smem:$0x3FB5] =	sst s0  }
0x18: {  	s0 =	sld [smem:$0x3F98];
	_ =	swait.ge [sflag:s4], $0x0  }
0x19: {  	s7 =	sld [smem:$0x3F99]  }
0x1a: {  	s8 =	sadd.s32 $0xFFFFE003, lr  }
0x1b: {  	s9 =	sadd.s32 $0xFFFFFEF7, lr;
	s5 =	simm.s32 $0xFFFFFFFF;
	p2 =	slt.u32 s8, $0xFFFFF086  }
0x1c: {  	p1 =	slt.u32 s9, $0xF7A;
	s5 =	simm.s32 @!p2 $0x0  }
0x1d: {  	s5 =	simm.s32 @p1 $0x1;
	p0 =	seq.s32 s7, s2  }
0x1e: {  	s7 =	smul.u32 @!p0 $0xF7A, s2;
	p2 =	seq.s32 @!p0 s5, $0x0  }
0x1f: {  	s9 =	smul.u32 $0xF7A, s1;
	s8 =	simm.s32 @!p0 $0x1BF5;
	p2 =	por !p2, p0  }
0x20: {  	[sflag:s8] =	ssyncset.s32 @!p0 $0xFFFFF086;
	s6 =	sadd.s32 @!p0 s3, s7;
	s7 =	simm.s32 @!p0 $0x108  }
0x21: {  	s3 =	sadd.s32 s3, s9;
	s6 =	sadd.s32 @!p0 $0x88, s6;
	s7 =	simm.s32 @p2 $0x1082  }
0x22: {  	[simem:s7], [sflag:s8] =	dma.local @!p0 [hbm:s6], $0xF7A  }
0x23: {  	s9 =	sor.u32 $0xD0000000, s2;
	s6 =	simm.s32 $0x108;
	_ =	swait.ge @!p0 [sflag:s8], $0x0  }
0x24: {  	s3 =	sadd.s32 $0x88, s3;
	s6 =	simm.s32 @!p1 $0x1082;
	[sflag:s4] =	ssyncset.s32 $0xFFFFF086  }
0x25: {  	[simem:s6], [sflag:s4] =	dma.local [hbm:s3], $0xF7A  }
0x26: {  	[smem:$0x3F99] =	sst s1;
	(tag) =	ssettag s2;
	_ =	strace s9  }
0x27: {  	s1 =	sld [smem:$0x3FA9]  }
0x28: {  	s2 =	sld [smem:$0x3FAA]  }
0x29: {  	s4 =	sld [smem:$0x3FAC]  }
0x2a: {  	p0 =	seq.s32 s5, $0x0;
	s5 =	sld [smem:$0x3FAD]  }
0x2b: {  	s6 =	sld [smem:$0x3FAE]  }
0x2c: {  	s7 =	sld [smem:$0x3FAF]  }
0x2d: {  	s3 =	simm.s32 $0x108;
	s8 =	sld [smem:$0x3FB0]  }
0x2e: {  	s3 =	simm.s32 @!p0 $0x1082;
	s9 =	sld [smem:$0x3FB1]  }
0x2f: {  	lr =	sadd.s32 s0, s3;
	s0 =	sld [smem:$0x3FA8]  }
0x30: {  	s3 =	sld [smem:$0x3FAB]  }
0x31: {  	[smem:$0x3FB4] =	sst s10  }
0x32: {  	s10 =	sld [smem:$0x3FB2];
	_ =	sdelay $0x3  }
0x33: {  	p0 =	seq.s32 s10, $0x1;
	s10 =	sld [smem:$0x3FB4];
	_ =	sdelay $0x3  }
0x34: {  	[smem:$0x3FB4] =	sst s10  }
0x35: {  	s10 =	sld [smem:$0x3FB3];
	_ =	sdelay $0x3  }
0x36: {  	p1 =	seq.s32 s10, $0x1;
	s10 =	sld [smem:$0x3FB4];
	_ =	sdelay $0x3  }
0x37: {  	[smem:$0x3FB4] =	sst s10  }
0x38: {  	s10 =	sld [smem:$0x3FB5]  }
0x39: {  	_ = 	snop;
	(pc) =	sbr.ind lr, $3  }
0x3a: {  	_ = 	snop  }
0x3b: {  	_ = 	snop  }
0x3c: {  	p2 =	seq.s32 s10, $0x1;
	s10 =	sld [smem:$0x3FB4]  }
0x3d: {  	_ =	shalt  }
0x3e: {  	_ =	shalt  }
0x3f: {  	_ =	shalt  }
0x40: {  	_ =	shalt  }
0x41: {  	_ =	shalt  }
0x42: {  	_ =	shalt  }
0x43: {  	_ =	shalt  }
0x44: {  	_ =	shalt  }
0x45: {  	_ =	shalt  }
0x46: {  	_ =	shalt  }
0x47: {  	_ =	shalt  }
0x48: {  	_ =	shalt  }
0x49: {  	_ =	shalt  }
0x4a: {  	_ =	shalt  }
0x4b: {  	_ =	shalt  }
0x4c: {  	_ =	shalt  }
0x4d: {  	_ =	shalt  }
0x4e: {  	_ =	shalt  }
0x4f: {  	_ =	shalt  }
0x50: {  	_ =	shalt  }
0x51: {  	_ =	shalt  }
0x52: {  	_ =	shalt  }
0x53: {  	_ =	shalt  }
0x54: {  	_ =	shalt  }
0x55: {  	_ =	shalt  }
0x56: {  	_ =	shalt  }
0x57: {  	_ =	shalt  }
0x58: {  	_ =	shalt  }
0x59: {  	_ =	shalt  }
0x5a: {  	_ =	shalt  }
0x5b: {  	_ =	shalt  }
0x5c: {  	_ =	shalt  }
0x5d: {  	_ =	shalt  }
0x5e: {  	_ =	shalt  }
0x5f: {  	_ =	shalt  }
0x60: {  	_ =	shalt  }
0x61: {  	_ =	shalt  }
0x62: {  	_ =	shalt  }
0x63: {  	_ =	shalt  }
0x64: {  	_ =	shalt  }
0x65: {  	_ =	shalt  }
0x66: {  	_ =	shalt  }
0x67: {  	_ =	shalt  }
0x68: {  	_ =	shalt  }
0x69: {  	_ =	shalt  }
0x6a: {  	_ =	shalt  }
0x6b: {  	_ =	shalt  }
0x6c: {  	_ =	shalt  }
0x6d: {  	_ =	shalt  }
0x6e: {  	_ =	shalt  }
0x6f: {  	_ =	shalt  }
0x70: {  	_ =	shalt  }
0x71: {  	_ =	shalt  }
0x72: {  	_ =	shalt  }
0x73: {  	_ =	shalt  }
0x74: {  	_ =	shalt  }
0x75: {  	_ =	shalt  }
0x76: {  	_ =	shalt  }
0x77: {  	_ =	shalt  }
0x78: {  	_ =	shalt  }
0x79: {  	_ =	shalt  }
0x7a: {  	_ =	shalt  }
0x7b: {  	_ =	shalt  }
0x7c: {  	_ =	shalt  }
0x7d: {  	_ =	shalt  }
0x7e: {  	_ =	shalt  }
0x7f: {  	_ =	shalt  }
0x80: {  	_ =	shalt  }
0x81: {  	_ =	shalt  }
0x82: {  	_ =	shalt  }
0x83: {  	_ =	shalt  }
0x84: {  	_ =	shalt  }
0x85: {  	_ =	shalt  }
0x86: {  	_ =	shalt  }
0x87: {  	_ =	shalt  }
.Lfunc_end0:
.L_simem_size_0:
called_computation.2_lowered:
.L_overlay_start_0:
0x88: {  	s2 =	sld [smem:$0x3FD9]  }
0x89: {  	s3 =	sld [smem:$0x3FFE];
	_ =	sdelay $0x1  }
0x8a: {  	s1 =	srdreg.scid  }
0x8b: {  	s0 =	sand.u32 $0x1, s1  }
0x8c: {  	s17 =	sshll.u32 s0, $0xA;
	s2 =	sadd.s32 s3, s2  }
0x8d: {  	s2 =	sadd.s32 s2, s17  }
0x8e: {  	[smem:$0x3FC0] =	sst s2  }
0x8f: {  	_ = 	snop  }
0x90: {  	s2 =	sld [smem:$0x3FD0];
	(tm) =	ssettm $0x1  }
0x91: {  	s18 =	sld [smem:$0x3FFB];
	_ =	sdelay $0x3  }
0x92: {  	_ =	strace s18  }
0x93: {  	s3 =	sld [smem:$0x3FFC];
	_ =	sdelay $0x3  }
0x94: {  	_ =	strace s3  }
0x95: {  	s3 =	sld [smem:$0x3FFD];
	_ =	sdelay $0x3  }
0x96: {  	_ =	strace s3  }
0x97: {  	_ =	strace $0x8FFFFFFF  }
0x98: {  	s19 =	sld [smem:$0x3FDB];
	_ =	sdelay $0x1  }
0x99: {  	s4 =	simm.s32 $_scs_section_size  }
0x9a: {  	s5 =	simm.s32 $_size__tile_overlayer_lowered;
	s6 =	simm.s32 $_tile_overlayer_lowered  }
0x9b: {  	s22 =	simm.s32 $0x1BFF;
	s21 =	sshll.u32 s6, $0x1;
	s3 =	sadd.s32 s4, s19  }
0x9c: {  	s7 =	simm.s32 $0x0;
	s20 =	sshll.u32 s5, $0x1;
	s5 =	sadd.s32 s21, s3  }
0x9d: {  	[timem:s7], [sflag:s22] =	dma.local [hbm:s5], s20  }
0x9e: {  	_ =	swait.ge [sflag:s22], s20  }
0x9f: {  	s4 =	ssub.s32 $0x0, s20;
	[sflag:s22] =	ssyncset.done $0x0  }
0xa0: {  	[sflag:s22] =	ssyncadd.s32 s4;
	_ =	sdelay $0x1  }
0xa1: {  	s23 =	simm.s32 $0x1B8B  }
0xa2: {  	_ =	swait.ge [sflag:s23], $0x1  }
0xa3: {  	[sflag:s23] =	ssyncset.done $0x0  }
0xa4: {  	s25 =	simm.s32 $0x1B8E;
	s24 =	sld [smem:$0x3FFE];
	[sflag:s23] =	ssyncadd.s32 $0xFFFFFFFF  }
0xa5: {  	s26 =	simm.s32 $execute0_lowered;
	[smem:$0x3FD2] =	sst s25  }
0xa6: {  	s5 =	sshll.u32 s26, $0x1;
	_ =	strace $0x8000004C;
	[dreg:$0x1] =	wrdreg $0xFFFFFFFF  }
0xa7: {  	s28 =	simm.s32 $_size_execute0_lowered;
	s3 =	sadd.s32 s3, s5;
	[dreg:$0x0] =	wrdreg $0x0  }
0xa8: {  	s5 =	sshll.u32 s28, $0x1;
	[dreg:$0x2] =	wrdreg s3  }
0xa9: {  	[dreg:$0x3] =	wrdreg s5  }
0xaa: {  	[dreg:$0x4] =	wrdreg $0xC0  }
0xab: {  	_ =	task [dreg:s7], $0x5FFFF  }
0xac: {  	[dreg:$0x1] =	wrdreg $0xFFFFFFFF  }
0xad: {  	[dreg:$0x0] =	wrdreg $0x60  }
0xae: {  	[dreg:$0x2] =	wrdreg s24  }
0xaf: {  	[dreg:$0x3] =	wrdreg s2  }
0xb0: {  	[dreg:$0x4] =	wrdreg $0x69000  }
0xb1: {  	[dreg:$0x5] =	wrdreg $0x91000  }
0xb2: {  	[dreg:$0x6] =	wrdreg $0x9  }
0xb3: {  	_ =	task.clear_ibuf [dreg:s7], $0x7FFFF;
	_ =	strace $0x9000004C  }
0xb4: {  	s29 =	simm.s32 $0x9;
	_ =	strace $0x8000004E  }
0xb5: {  	_ =	swait.ge [sflag:s29], $0x1  }
0xb6: {  	[sflag:s29] =	ssyncadd.s32 $0xFFFFFFFF  }
0xb7: {  	_ =	strace $0x9000004E  }
0xb8: {  	_ =	sfence  }
0xb9: {  	s30 =	sld [smem:$0x0];
	_ =	sdelay $0x2  }
0xba: {  	s31 =	sshll.u32 s1, $0xD;
	s1 =	sshrl.u32 s1, $0x2  }
0xbb: {  	s3 =	sand.u32 $0x4000, s31;
	s1 =	sadd.s32 s1, s30  }
0xbc: {  	s0 =	sor.u32 s3, s0;
	s1 =	sshll.u32 s1, $0x11  }
0xbd: {  	s0 =	sor.u32 s1, s0  }
0xbe: {  	s0 =	sadd.s32 $0x8F2B, s0  }
0xbf: {  	[sflag:s0] =	ssyncadd.remote.s32 $0x1  }
0xc0: {  	_ =	sfence.sel $0xFFFF  }
0xc1: {  	[dreg:$0x0] =	wrdreg $0xFFFFFFFF;
	(pc) =	sbr.abs _section_cstart, $3  }
0xc2: {  	[dreg:$0x1] =	wrdreg $0xFFFFFFFF  }
0xc3: {  	_ =	task.clear_ibuf [dreg:s7], $0x2FFFF;
	_ =	strace $0x9FFFFFFF  }
0xc4: {  	(tm) =	ssettm $0x7FFFFFFF  }
0xc5: {  	_ =	shalt  }
tec
execute0_lowered:
.L_overlay_start_1:
0x0: {  	(tag) =	ssettag $0x1  }
0x1: {  	s6 =	rddreg [dreg:$0x0]  }
0x2: {  	s1 =	rddreg [dreg:$0x1]  }
0x3: {  	s2 =	srdreg.scid;
	s3 =	rddreg [dreg:$0x2]  }
0x4: {  	s0 =	stileid.u32;
	s4 =	rddreg [dreg:$0x3]  }
0x5: {  	s5 =	simm.s32 $0x0;
	s16 =	simm.s32 $0x5100;
	s17 =	simm.s32 $0x5D00  }
0x6: {  	s18 =	simm.s32 $0x1;
	s19 =	simm.s32 $0x2;
	s20 =	simm.s32 $0x27C0  }
0x7: {  	s21 =	simm.s32 $0x4F80;
	s7 =	sand.u32 $0x1, s2;
	s2 =	rddreg [dreg:$0x4]  }
0x8: {  	s22 =	simm.s32 $0x5040;
	s8 =	smul.u32 $0x2710, s0;
	[smem:$0x7FF] =	sst s5  }
0x9: {  	s12 =	smul.u32 $0x2800, s0;
	s13 =	sshll.u32 s0, $0x6;
	s9 =	sshll.u32 s7, $0x4  }
0xa: {  	_ =	strace $0x8000004D;
	s11 =	smul.u32 $0x5000, s7;
	s7 =	ssub.s32 $0x2, s7  }
0xb: {  	s9 =	sor.u32 s0, s9;
	s10 =	sshrl.u32 s8, $0x3;
	s30 =	sshrl.u32 s7, $0x1  }
0xc: {  	s15 =	sadd.s32 s12, s3;
	s31 =	sadd.s32 s8, s4;
	s24 =	sshrl.u32 s12, $0x3  }
0xd: {  	s12 =	simm.s32 $0x3;
	s9 =	smul.u32 $0x510, s9;
	s10 =	sadd.s32 s10, s6  }
0xe: {  	s11 =	sadd.s32 s11, s6;
	s14 =	ssub.s32 s7, s30;
	s7 =	sadd.s32 $0xE00, s10  }
0xf: {  	s23 =	sadd.s32 $0x5E00, s11;
	s10 =	smax.u32 s14, $0x1;
	s11 =	sshrl.u32 s15, $0x3  }
0x10: {  	s14 =	simm.s32 $0x2880;
	s15 =	simm.s32 $0xC0;
	s9 =	sadd.s32 s9, s6  }
0x11: {  	s6 =	sor.u32 $0x1C03, s13;
	s13 =	sshrl.u32 s31, $0x3;
	s23 =	sadd.s32 s24, s23  }
0x12: {  	s24 =	simm.s32 $0x0;
	s8 =	sadd.s32 $0x1EA00, s9;
	s9 =	sadd.s32 $0x14800, s9  }
.LBB2_1:
0x13: {  	[spmem:s11], [sflag:s6] =	dma.local [hbm:s1], $0x500  }
0x14: {  	_ =	swait.ge [sflag:s12], $0x500  }
0x15: {  	[sflag:s12] =	ssyncset.done $0x0  }
0x16: {  	[sflag:s12] =	ssyncadd.s32 $0xFFFFFB00  }
0x17: {  	[spmem:s13], [sflag:s6] =	dma.local [hbm:s7], $0x4E2  }
0x18: {  	_ =	swait.ge [sflag:s12], $0x4E2  }
0x19: {  	[sflag:s12] =	ssyncset.done $0x0  }
0x1a: {  	[sflag:s12] =	ssyncadd.s32 $0xFFFFFB1E  }
0x1b: {  	[tilespmem:s5], [sflag:$0x3] =	stream.linear.gather [hbm4b:s8+s5], $0x2880, $0x38;
	[tilespmem:$0xB810] =	vst v63  }
0x1c: {  	_ =	swait.ge [sflag:s12], $0x2880  }
0x1d: {  	[sflag:s12] =	ssyncset.done $0x0  }
0x1e: {  	[sflag:s12] =	ssyncadd.s32 $0xFFFFD780  }
0x1f: {  	[tilespmem:s14], [sflag:$0x3] =	stream.linear.gather [hbm4b:s9+s5], $0x2880, $0x38;
	[tilespmem:$0xB810] =	vst v63  }
0x20: {  	_ =	swait.ge [sflag:s12], $0x2880  }
0x21: {  	[sflag:s12] =	ssyncset.done $0x0  }
0x22: {  	[sflag:s12] =	ssyncadd.s32 $0xFFFFD780  }
0x23: {  	[bflag:$0x0] =	sbarrier.arrive $0xFFFF  }
0x24: {  	[tilespmem:s16], [sflag:$0x1] =	stream.indirect.gather [spmem:s4], $0x10, s5, s15, $0xb8;
	[tilespmem:$0xB810] =	vst v63  }
0x25: {  	s25 =	simm.s32 $0xC0  }
0x26: {  	[tilespmem:s17], [sflag:$0x2] =	stream.indirect.gather [spmem:s4], $0x10, s25, s15, $0xb8;
	[tilespmem:$0xB810] =	vst v63  }
0x27: {  	_ =	swait.ge [sflag:s18], $0xC00  }
0x28: {  	[sflag:s18] =	ssyncset.done $0x0  }
0x29: {  	s29 =	simm.s32 $0x2880;
	[sflag:s18] =	ssyncadd.s32 $0xFFFFF400  }
0x2a: {  	[spmem:s3] =	stream.indirect.scatter.add.f32 [tilespmem:s16], [sflag:$0x3], $0x10, s29, s15, $0xb8;
	[tilespmem:$0xB810] =	vst v63  }
0x2b: {  	_ =	swait.ge [sflag:s12], $0xC00  }
0x2c: {  	[sflag:s12] =	ssyncset.done $0x0  }
0x2d: {  	s30 =	simm.s32 $0x180;
	[sflag:s12] =	ssyncadd.s32 $0xFFFFF400  }
0x2e: {  	[tilespmem:s16], [sflag:$0x1] =	stream.indirect.gather [spmem:s4], $0x10, s30, s15, $0xb8;
	[tilespmem:$0xB810] =	vst v63  }
0x2f: {  	_ =	swait.ge [sflag:s19], $0xC00  }
0x30: {  	[sflag:s19] =	ssyncset.done $0x0  }
0x31: {  	s31 =	simm.s32 $0x2940;
	[sflag:s19] =	ssyncadd.s32 $0xFFFFF400  }
0x32: {  	[spmem:s3] =	stream.indirect.scatter.add.f32 [tilespmem:s17], [sflag:$0x3], $0x10, s31, s15, $0xb8;
	[tilespmem:$0xB810] =	vst v63  }
0x33: {  	_ =	swait.ge [sflag:s12], $0xC00  }
0x34: {  	s26 =	simm.s32 $0xC00;
	s25 =	simm.s32 $0x180;
	[sflag:s12] =	ssyncset.done $0x0  }
.LBB2_2:
0x35: {  	s28 =	sadd.s32 $0xC0, s25  }
0x36: {  	[sflag:s12] =	ssyncadd.s32 $0xFFFFF400;
	s29 =	smov.u32 s26;
	s30 =	sadd.s32 $0x600, s26  }
0x37: {  	[tilespmem:s17], [sflag:$0x2] =	stream.indirect.gather [spmem:s4], $0x10, s28, s15, $0xb8;
	[tilespmem:$0xB810] =	vst v63  }
0x38: {  	p0 =	sne.s32 s26, $0x9600;
	_ =	swait.ge [sflag:s18], $0xC00  }
0x39: {  	[sflag:s18] =	ssyncset.done $0x0  }
0x3a: {  	s26 =	sadd.s32 $0x2880, s25;
	[sflag:s18] =	ssyncadd.s32 $0xFFFFF400  }
0x3b: {  	[spmem:s3] =	stream.indirect.scatter.add.f32 [tilespmem:s16], [sflag:$0x3], $0x10, s26, s15, $0xb8;
	[tilespmem:$0xB810] =	vst v63  }
0x3c: {  	_ =	swait.ge [sflag:s12], $0xC00  }
0x3d: {  	[sflag:s12] =	ssyncset.done $0x0  }
0x3e: {  	s26 =	sadd.s32 $0x180, s25;
	[sflag:s12] =	ssyncadd.s32 $0xFFFFF400  }
0x3f: {  	[tilespmem:s16], [sflag:$0x1] =	stream.indirect.gather [spmem:s4], $0x10, s26, s15, $0xb8;
	[tilespmem:$0xB810] =	vst v63  }
0x40: {  	_ =	swait.ge [sflag:s19], $0xC00  }
.Ltmp0:
0x41: {  	[sflag:s19] =	ssyncset.done $0x0;
	(pc) =	sbr.rel @p0 .LBB2_2-.Ltmp0, $4  }
0x42: {  	s25 =	sadd.s32 $0x2940, s25;
	[sflag:s19] =	ssyncadd.s32 $0xFFFFF400  }
0x43: {  	[spmem:s3] =	stream.indirect.scatter.add.f32 [tilespmem:s17], [sflag:$0x3], $0x10, s25, s15, $0xb8;
	[tilespmem:$0xB810] =	vst v63  }
0x44: {  	_ =	swait.ge [sflag:s12], $0xC00  }
0x45: {  	s26 =	smov.u32 s30;
	s25 =	sshra.s32 s29, $0x2;
	[sflag:s12] =	ssyncset.done $0x0  }
0x46: {  	s26 =	sadd.s32 $0xC0, s25;
	[sflag:s12] =	ssyncadd.s32 $0xFFFFF400  }
0x47: {  	[tilespmem:s17], [sflag:$0x2] =	stream.indirect.gather [spmem:s4], $0x10, s26, s15, $0xb8;
	[tilespmem:$0xB810] =	vst v63  }
0x48: {  	_ =	swait.ge [sflag:s18], $0xC00  }
0x49: {  	[sflag:s18] =	ssyncset.done $0x0  }
0x4a: {  	s29 =	sadd.s32 $0x2880, s25;
	[sflag:s18] =	ssyncadd.s32 $0xFFFFF400  }
0x4b: {  	[spmem:s3] =	stream.indirect.scatter.add.f32 [tilespmem:s16], [sflag:$0x3], $0x10, s29, s15, $0xb8;
	[tilespmem:$0xB810] =	vst v63  }
0x4c: {  	_ =	swait.ge [sflag:s12], $0xC00  }
0x4d: {  	[sflag:s12] =	ssyncset.done $0x0  }
0x4e: {  	s30 =	sadd.s32 $0x180, s25;
	[sflag:s12] =	ssyncadd.s32 $0xFFFFF400  }
0x4f: {  	[tilespmem:s16], [sflag:$0x1] =	stream.indirect.gather [spmem:s4], $0x10, s30, s15, $0xb8;
	[tilespmem:$0xB810] =	vst v63  }
0x50: {  	_ =	swait.ge [sflag:s19], $0xC00  }
0x51: {  	[sflag:s19] =	ssyncset.done $0x0  }
0x52: {  	s31 =	sadd.s32 $0x2940, s25;
	[sflag:s19] =	ssyncadd.s32 $0xFFFFF400  }
0x53: {  	[spmem:s3] =	stream.indirect.scatter.add.f32 [tilespmem:s17], [sflag:$0x3], $0x10, s31, s15, $0xb8;
	[tilespmem:$0xB810] =	vst v63  }
0x54: {  	_ =	swait.ge [sflag:s12], $0xC00  }
0x55: {  	[sflag:s12] =	ssyncset.done $0x0  }
0x56: {  	[sflag:s12] =	ssyncadd.s32 $0xFFFFF400  }
0x57: {  	[tilespmem:s17], [sflag:$0x2] =	stream.indirect.gather [spmem:s4], $0x10, s20, s15, $0xb8;
	[tilespmem:$0xB810] =	vst v63  }
0x58: {  	_ =	swait.ge [sflag:s18], $0xC00  }
0x59: {  	[sflag:s18] =	ssyncset.done $0x0  }
0x5a: {  	[sflag:s18] =	ssyncadd.s32 $0xFFFFF400  }
0x5b: {  	[spmem:s3] =	stream.indirect.scatter.add.f32 [tilespmem:s16], [sflag:$0x3], $0x10, s21, s15, $0xb8;
	[tilespmem:$0xB810] =	vst v63  }
0x5c: {  	_ =	swait.ge [sflag:s12], $0xC00  }
0x5d: {  	[sflag:s12] =	ssyncset.done $0x0  }
0x5e: {  	[sflag:s12] =	ssyncadd.s32 $0xFFFFF400  }
0x5f: {  	_ =	swait.ge [sflag:s19], $0xC00  }
0x60: {  	[sflag:s19] =	ssyncset.done $0x0  }
0x61: {  	[sflag:s19] =	ssyncadd.s32 $0xFFFFF400  }
0x62: {  	[spmem:s3] =	stream.indirect.scatter.add.f32 [tilespmem:s17], [sflag:$0x3], $0x10, s22, s15, $0xb8;
	[tilespmem:$0xB810] =	vst v63  }
0x63: {  	_ =	swait.ge [sflag:s12], $0xC00  }
0x64: {  	s24 =	sadd.s32 $0x1, s24;
	[sflag:s12] =	ssyncset.done $0x0  }
0x65: {  	p0 =	sne.s32 s24, s10;
	[sflag:s12] =	ssyncadd.s32 $0xFFFFF400  }
.Ltmp1:
0x66: {  	[bflag:$0x0] =	sbarrier.arrive $0xFFFF;
	(pc) =	sbr.rel @p0 .LBB2_1-.Ltmp1, $4  }
0x67: {  	[hbm:s23], [sflag:s6] =	dma.local [spmem:s11], $0x500  }
0x68: {  	_ =	swait.ge [sflag:s12], $0x500  }
0x69: {  	[sflag:s12] =	ssyncset.done $0x0  }
0x6a: {  	[sflag:s12] =	ssyncadd.s32 $0xFFFFFB00  }
0x6b: {  	_ =	sfence.sel $0x180000  }
0x6c: {  	[bflag:$0x0] =	sbarrier.arrive $0xFFFF  }
0x6d: {  	p0 =	sne.s32 s0, $0x0;
	_ =	strace $0x9000004D  }
0x6e: {  	s0 =	sadd.s32 @!p0 $0x100000, s2;
	[bflag:$0x2] =	sbarrier.arrive $0xFFFF  }
0x6f: {  	[sflag:s0] =	ssyncadd.tile.s32 @!p0 $0x1;
	_ =	shalt  }
.Lfunc_end2:
_tile_overlayer_lowered:
.L_overlay_start_2:
0x70: {  	(tag) =	ssettag $0x2  }
0x71: {  	s0 =	rddreg [dreg:$0x0];
	s2 =	stileid.u32  }
0x72: {  	s1 =	rddreg [dreg:$0x1];
	p0 =	sne.s32 s2, $0x0  }
0x73: {  	s3 =	rddreg [dreg:$0x2];
	[bflag:$0x3] =	sbarrier.arrive $0xFFFF;
	s2 =	simm.s32 @!p0 $0x1C03  }
0x74: {  	[timem:s3], [sflag:s2] =	dma.local @!p0 [hbm:s0], s1  }
0x75: {  	s0 =	simm.s32 @!p0 $0x3  }
0x76: {  	_ =	swait.ge @!p0 [sflag:s0], s1  }
0x77: {  	s1 =	ssub.s32 @!p0 $0x0, s1;
	[sflag:s0] =	ssyncset.done @!p0 $0x0  }
0x78: {  	[sflag:s0] =	ssyncadd.s32 @!p0 s1  }
0x79: {  	[bflag:$0x3] =	sbarrier.arrive $0xFFFF  }
0x7a: {  	_ =	shalt  }

// kernel: kernel.8.cloned.1.call-start
scs
__scs_entry_jumppad:
0x0: {  	(pc) =	sbr.rel $0x88, $3  }
0x1: {  	(tag) =	ssettag $0x0;
	lr =	simm.s32 $0x1  }
0x2: {  	[smem:$0x3F99] =	sst lr;
	_ =	strace $0xD0000000  }
0x3: {  	_ = 	snop  }
0x4: {  	_ = 	snop  }
0x5: {  	_ = 	snop  }
0x6: {  	_ = 	snop  }
0x7: {  	_ = 	snop  }
__scs_overlays_trampoline_lowered:
0x8: {  	[smem:$0x3FA8] =	sst s0  }
0x9: {  	[smem:$0x3FA9] =	sst s1  }
0xa: {  	[smem:$0x3FAA] =	sst s2  }
0xb: {  	[smem:$0x3FAB] =	sst s3  }
0xc: {  	[smem:$0x3FAC] =	sst s4  }
0xd: {  	[smem:$0x3FAD] =	sst s5  }
0xe: {  	[smem:$0x3FAE] =	sst s6  }
0xf: {  	[smem:$0x3FAF] =	sst s7  }
0x10: {  	[smem:$0x3FB0] =	sst s8  }
0x11: {  	[smem:$0x3FB1] =	sst s9;
	s0 =	simm.s32 @!p0 $0x0  }
0x12: {  	s1 =	sld [smem:$0x3F97];
	s0 =	simm.s32 @p0 $0x1  }
0x13: {  	[smem:$0x3FB2] =	sst s0;
	s0 =	simm.s32 @!p1 $0x0  }
0x14: {  	s2 =	sld [smem:$0x3F96];
	s0 =	simm.s32 @p1 $0x1  }
0x15: {  	[smem:$0x3FB3] =	sst s0;
	s0 =	simm.s32 @!p2 $0x0  }
0x16: {  	s3 =	sld [smem:$0x3FDB];
	s0 =	simm.s32 @p2 $0x1  }
0x17: {  	s4 =	simm.s32 $0x1BF5;
	[smem:$0x3FB5] =	sst s0  }
0x18: {  	s0 =	sld [smem:$0x3F98];
	_ =	swait.ge [sflag:s4], $0x0  }
0x19: {  	s7 =	sld [smem:$0x3F99]  }
0x1a: {  	s8 =	sadd.s32 $0xFFFFE003, lr  }
0x1b: {  	s9 =	sadd.s32 $0xFFFFFEF7, lr;
	s5 =	simm.s32 $0xFFFFFFFF;
	p2 =	slt.u32 s8, $0xFFFFF086  }
0x1c: {  	p1 =	slt.u32 s9, $0xF7A;
	s5 =	simm.s32 @!p2 $0x0  }
0x1d: {  	s5 =	simm.s32 @p1 $0x1;
	p0 =	seq.s32 s7, s2  }
0x1e: {  	s7 =	smul.u32 @!p0 $0xF7A, s2;
	p2 =	seq.s32 @!p0 s5, $0x0  }
0x1f: {  	s9 =	smul.u32 $0xF7A, s1;
	s8 =	simm.s32 @!p0 $0x1BF5;
	p2 =	por !p2, p0  }
0x20: {  	[sflag:s8] =	ssyncset.s32 @!p0 $0xFFFFF086;
	s6 =	sadd.s32 @!p0 s3, s7;
	s7 =	simm.s32 @!p0 $0x108  }
0x21: {  	s3 =	sadd.s32 s3, s9;
	s6 =	sadd.s32 @!p0 $0x88, s6;
	s7 =	simm.s32 @p2 $0x1082  }
0x22: {  	[simem:s7], [sflag:s8] =	dma.local @!p0 [hbm:s6], $0xF7A  }
0x23: {  	s9 =	sor.u32 $0xD0000000, s2;
	s6 =	simm.s32 $0x108;
	_ =	swait.ge @!p0 [sflag:s8], $0x0  }
0x24: {  	s3 =	sadd.s32 $0x88, s3;
	s6 =	simm.s32 @!p1 $0x1082;
	[sflag:s4] =	ssyncset.s32 $0xFFFFF086  }
0x25: {  	[simem:s6], [sflag:s4] =	dma.local [hbm:s3], $0xF7A  }
0x26: {  	[smem:$0x3F99] =	sst s1;
	(tag) =	ssettag s2;
	_ =	strace s9  }
0x27: {  	s1 =	sld [smem:$0x3FA9]  }
0x28: {  	s2 =	sld [smem:$0x3FAA]  }
0x29: {  	s4 =	sld [smem:$0x3FAC]  }
0x2a: {  	p0 =	seq.s32 s5, $0x0;
	s5 =	sld [smem:$0x3FAD]  }
0x2b: {  	s6 =	sld [smem:$0x3FAE]  }
0x2c: {  	s7 =	sld [smem:$0x3FAF]  }
0x2d: {  	s3 =	simm.s32 $0x108;
	s8 =	sld [smem:$0x3FB0]  }
0x2e: {  	s3 =	simm.s32 @!p0 $0x1082;
	s9 =	sld [smem:$0x3FB1]  }
0x2f: {  	lr =	sadd.s32 s0, s3;
	s0 =	sld [smem:$0x3FA8]  }
0x30: {  	s3 =	sld [smem:$0x3FAB]  }
0x31: {  	[smem:$0x3FB4] =	sst s10  }
0x32: {  	s10 =	sld [smem:$0x3FB2];
	_ =	sdelay $0x3  }
0x33: {  	p0 =	seq.s32 s10, $0x1;
	s10 =	sld [smem:$0x3FB4];
	_ =	sdelay $0x3  }
0x34: {  	[smem:$0x3FB4] =	sst s10  }
0x35: {  	s10 =	sld [smem:$0x3FB3];
	_ =	sdelay $0x3  }
0x36: {  	p1 =	seq.s32 s10, $0x1;
	s10 =	sld [smem:$0x3FB4];
	_ =	sdelay $0x3  }
0x37: {  	[smem:$0x3FB4] =	sst s10  }
0x38: {  	s10 =	sld [smem:$0x3FB5]  }
0x39: {  	_ = 	snop;
	(pc) =	sbr.ind lr, $3  }
0x3a: {  	_ = 	snop  }
0x3b: {  	_ = 	snop  }
0x3c: {  	p2 =	seq.s32 s10, $0x1;
	s10 =	sld [smem:$0x3FB4]  }
0x3d: {  	_ =	shalt  }
0x3e: {  	_ =	shalt  }
0x3f: {  	_ =	shalt  }
0x40: {  	_ =	shalt  }
0x41: {  	_ =	shalt  }
0x42: {  	_ =	shalt  }
0x43: {  	_ =	shalt  }
0x44: {  	_ =	shalt  }
0x45: {  	_ =	shalt  }
0x46: {  	_ =	shalt  }
0x47: {  	_ =	shalt  }
0x48: {  	_ =	shalt  }
0x49: {  	_ =	shalt  }
0x4a: {  	_ =	shalt  }
0x4b: {  	_ =	shalt  }
0x4c: {  	_ =	shalt  }
0x4d: {  	_ =	shalt  }
0x4e: {  	_ =	shalt  }
0x4f: {  	_ =	shalt  }
0x50: {  	_ =	shalt  }
0x51: {  	_ =	shalt  }
0x52: {  	_ =	shalt  }
0x53: {  	_ =	shalt  }
0x54: {  	_ =	shalt  }
0x55: {  	_ =	shalt  }
0x56: {  	_ =	shalt  }
0x57: {  	_ =	shalt  }
0x58: {  	_ =	shalt  }
0x59: {  	_ =	shalt  }
0x5a: {  	_ =	shalt  }
0x5b: {  	_ =	shalt  }
0x5c: {  	_ =	shalt  }
0x5d: {  	_ =	shalt  }
0x5e: {  	_ =	shalt  }
0x5f: {  	_ =	shalt  }
0x60: {  	_ =	shalt  }
0x61: {  	_ =	shalt  }
0x62: {  	_ =	shalt  }
0x63: {  	_ =	shalt  }
0x64: {  	_ =	shalt  }
0x65: {  	_ =	shalt  }
0x66: {  	_ =	shalt  }
0x67: {  	_ =	shalt  }
0x68: {  	_ =	shalt  }
0x69: {  	_ =	shalt  }
0x6a: {  	_ =	shalt  }
0x6b: {  	_ =	shalt  }
0x6c: {  	_ =	shalt  }
0x6d: {  	_ =	shalt  }
0x6e: {  	_ =	shalt  }
0x6f: {  	_ =	shalt  }
0x70: {  	_ =	shalt  }
0x71: {  	_ =	shalt  }
0x72: {  	_ =	shalt  }
0x73: {  	_ =	shalt  }
0x74: {  	_ =	shalt  }
0x75: {  	_ =	shalt  }
0x76: {  	_ =	shalt  }
0x77: {  	_ =	shalt  }
0x78: {  	_ =	shalt  }
0x79: {  	_ =	shalt  }
0x7a: {  	_ =	shalt  }
0x7b: {  	_ =	shalt  }
0x7c: {  	_ =	shalt  }
0x7d: {  	_ =	shalt  }
0x7e: {  	_ =	shalt  }
0x7f: {  	_ =	shalt  }
0x80: {  	_ =	shalt  }
0x81: {  	_ =	shalt  }
0x82: {  	_ =	shalt  }
0x83: {  	_ =	shalt  }
0x84: {  	_ =	shalt  }
0x85: {  	_ =	shalt  }
0x86: {  	_ =	shalt  }
0x87: {  	_ =	shalt  }
.Lfunc_end0:
.L_simem_size_0:
called_computation_lowered:
.L_overlay_start_0:
0x88: {  	s2 =	sld [smem:$0x3FD9]  }
0x89: {  	s3 =	sld [smem:$0x3FFE];
	_ =	sdelay $0x1  }
0x8a: {  	s1 =	srdreg.scid  }
0x8b: {  	s0 =	sand.u32 $0x1, s1  }
0x8c: {  	s17 =	sshll.u32 s0, $0xA;
	s2 =	sadd.s32 s3, s2  }
0x8d: {  	s2 =	sadd.s32 s2, s17  }
0x8e: {  	[smem:$0x3FC0] =	sst s2  }
0x8f: {  	_ = 	snop  }
0x90: {  	s18 =	sld [smem:$0x3FD0];
	(tm) =	ssettm $0x1  }
0x91: {  	s19 =	sld [smem:$0x3FFB];
	_ =	sdelay $0x3  }
0x92: {  	_ =	strace s19  }
0x93: {  	s2 =	sld [smem:$0x3FFC];
	_ =	sdelay $0x3  }
0x94: {  	_ =	strace s2  }
0x95: {  	s2 =	sld [smem:$0x3FFD];
	_ =	sdelay $0x3  }
0x96: {  	_ =	strace s2  }
0x97: {  	_ =	strace $0x8FFFFFFF  }
0x98: {  	s20 =	sld [smem:$0x3FDB];
	_ =	sdelay $0x1  }
0x99: {  	s4 =	simm.s32 $_scs_section_size  }
0x9a: {  	s5 =	simm.s32 $_size__tile_overlayer_lowered;
	s6 =	simm.s32 $_tile_overlayer_lowered  }
0x9b: {  	s7 =	simm.s32 $0x1BFF;
	s21 =	sshll.u32 s6, $0x1;
	s4 =	sadd.s32 s4, s20  }
0x9c: {  	s22 =	simm.s32 $0x0;
	s5 =	sshll.u32 s5, $0x1;
	s6 =	sadd.s32 s21, s4  }
0x9d: {  	[timem:s22], [sflag:s7] =	dma.local [hbm:s6], s5  }
0x9e: {  	_ =	swait.ge [sflag:s7], s5  }
0x9f: {  	s5 =	ssub.s32 $0x0, s5;
	[sflag:s7] =	ssyncset.done $0x0  }
0xa0: {  	[sflag:s7] =	ssyncadd.s32 s5;
	_ =	sdelay $0x1  }
0xa1: {  	s23 =	simm.s32 $0x1B8B  }
0xa2: {  	_ =	swait.ge [sflag:s23], $0x1  }
0xa3: {  	[sflag:s23] =	ssyncset.done $0x0  }
0xa4: {  	[sflag:s23] =	ssyncadd.s32 $0xFFFFFFFF  }
0xa5: {  	s5 =	sld [smem:$0x0]  }
0xa6: {  	s6 =	sand.u32 $0xFFFFFFFE, s1  }
0xa7: {  	p0 =	sne.s32 s1, s6  }
0xa8: {  	s6 =	sshll.u32 @p0 s6, $0xE  }
0xa9: {  	s6 =	sadd.s32 @p0 $0x11B8D, s6;
	s7 =	sshll.u32 @p0 s5, $0x11  }
0xaa: {  	s6 =	sor.u32 @p0 s7, s6  }
0xab: {  	[sflag:s6] =	ssyncadd.remote.s32 @p0 $0x1;
	_ =	sdelay $0x1  }
0xac: {  	s6 =	simm.s32 @p0 $0x1B8D  }
0xad: {  	_ =	swait.eq @p0 [sflag:s6], $0x1  }
0xae: {  	[sflag:s6] =	ssyncadd.s32 @p0 $0xFFFFFFFF  }
0xaf: {  	s7 =	sshll.u32 @!p0 s1, $0xE  }
0xb0: {  	s7 =	sor.u32 @!p0 $0x4000, s7;
	s6 =	simm.s32 @!p0 $0x1B8D  }
0xb1: {  	s5 =	sshll.u32 @!p0 s5, $0x11;
	s7 =	sadd.s32 @!p0 $0x11B8D, s7;
	_ =	swait.eq @!p0 [sflag:s6], $0x1  }
0xb2: {  	s5 =	sor.u32 @!p0 s5, s7;
	[sflag:s6] =	ssyncadd.s32 @!p0 $0xFFFFFFFF  }
0xb3: {  	s25 =	simm.s32 $0x1B8E;
	s24 =	sld [smem:$0x3FFE];
	[sflag:s5] =	ssyncadd.remote.s32 @!p0 $0x1  }
0xb4: {  	s26 =	simm.s32 $execute0_lowered;
	[smem:$0x3FD2] =	sst s25  }
0xb5: {  	s6 =	sshll.u32 s26, $0x1;
	_ =	strace $0x80000049;
	[dreg:$0x1] =	wrdreg $0xFFFFFFFF  }
0xb6: {  	s28 =	simm.s32 $_size_execute0_lowered;
	s4 =	sadd.s32 s4, s6;
	[dreg:$0x0] =	wrdreg $0x0  }
0xb7: {  	s6 =	sshll.u32 s28, $0x1;
	[dreg:$0x2] =	wrdreg s4  }
0xb8: {  	[dreg:$0x3] =	wrdreg s6  }
0xb9: {  	[dreg:$0x4] =	wrdreg $0xC0  }
0xba: {  	_ =	task [dreg:s22], $0x5FFFF  }
0xbb: {  	[dreg:$0x1] =	wrdreg $0xFFFFFFFF  }
0xbc: {  	[dreg:$0x0] =	wrdreg $0x60  }
0xbd: {  	[dreg:$0x2] =	wrdreg s24  }
0xbe: {  	[dreg:$0x3] =	wrdreg s18  }
0xbf: {  	[dreg:$0x4] =	wrdreg $0x4C800  }
0xc0: {  	[dreg:$0x5] =	wrdreg $0x9  }
0xc1: {  	_ =	task.clear_ibuf [dreg:s22], $0x6FFFF;
	_ =	strace $0x90000049  }
0xc2: {  	s29 =	simm.s32 $0x9;
	_ =	strace $0x8000004B  }
0xc3: {  	_ =	swait.ge [sflag:s29], $0x1  }
0xc4: {  	[sflag:s29] =	ssyncadd.s32 $0xFFFFFFFF  }
0xc5: {  	_ =	strace $0x9000004B  }
0xc6: {  	_ =	sfence  }
0xc7: {  	s30 =	sld [smem:$0x0];
	_ =	sdelay $0x2  }
0xc8: {  	s31 =	sshll.u32 s1, $0xD;
	s1 =	sshrl.u32 s1, $0x2  }
0xc9: {  	s4 =	sand.u32 $0x4000, s31;
	s1 =	sadd.s32 s1, s30  }
0xca: {  	s0 =	sor.u32 s4, s0;
	s1 =	sshll.u32 s1, $0x11  }
0xcb: {  	s0 =	sor.u32 s1, s0  }
0xcc: {  	s0 =	sadd.s32 $0x8F2B, s0  }
0xcd: {  	[sflag:s0] =	ssyncadd.remote.s32 $0x1  }
0xce: {  	_ =	sfence.sel $0xFFFF  }
0xcf: {  	[dreg:$0x0] =	wrdreg $0xFFFFFFFF;
	(pc) =	sbr.abs _section_cstart, $3  }
0xd0: {  	[dreg:$0x1] =	wrdreg $0xFFFFFFFF  }
0xd1: {  	_ =	task.clear_ibuf [dreg:s22], $0x2FFFF;
	_ =	strace $0x9FFFFFFF  }
0xd2: {  	(tm) =	ssettm $0x7FFFFFFF  }
0xd3: {  	_ =	shalt  }
tec
execute0_lowered:
.L_overlay_start_1:
0x0: {  	(tag) =	ssettag $0x1  }
0x1: {  	s29 =	rddreg [dreg:$0x0]  }
0x2: {  	s2 =	rddreg [dreg:$0x1]  }
0x3: {  	s3 =	rddreg [dreg:$0x2];
	s0 =	stileid.u32  }
0x4: {  	s4 =	simm.s32 $0x0;
	s5 =	srdreg.scid;
	s30 =	smul.u32 $0x2800, s0  }
0x5: {  	[smem:$0x7FF] =	sst s4;
	s28 =	sand.u32 $0x1, s5  }
0x6: {  	s26 =	sshll.u32 s0, $0x6;
	_ =	strace $0x8000004A;
	s6 =	sadd.s32 s30, s3  }
0x7: {  	s5 =	sor.u32 $0x1C01, s26;
	s7 =	sshrl.u32 s6, $0x3;
	s6 =	simm.s32 $0x1  }
0x8: {  	[spmem:s7], [sflag:s5] =	dma.local [hbm:s2], $0x500  }
0x9: {  	s8 =	sshll.u32 s28, $0x4;
	_ =	swait.ge [sflag:s6], $0x500  }
0xa: {  	s9 =	simm.s32 $0x2880;
	s8 =	sor.u32 s0, s8;
	[sflag:s6] =	ssyncset.done $0x0  }
0xb: {  	s10 =	smul.u32 $0x510, s8;
	s8 =	sadd.s32 $0x52000, s29;
	[sflag:s6] =	ssyncadd.s32 $0xFFFFFB00  }
0xc: {  	[tilespmem:s9], [sflag:$0x1] =	stream.linear.gather [hbm4b:s8+s4], $0x2400, $0x38;
	[tilespmem:$0x7480] =	vst v63  }
0xd: {  	_ =	swait.ge [sflag:s6], $0x2400  }
0xe: {  	s10 =	sadd.s32 s10, s29;
	[sflag:s6] =	ssyncset.done $0x0  }
0xf: {  	s10 =	sadd.s32 $0x14800, s10;
	[sflag:s6] =	ssyncadd.s32 $0xFFFFDC00  }
0x10: {  	[tilespmem:s4], [sflag:$0x1] =	stream.linear.gather [hbm4b:s10+s4], $0x2880, $0x38;
	[tilespmem:$0x7480] =	vst v63  }
0x11: {  	_ =	swait.ge [sflag:s6], $0x2880  }
0x12: {  	[sflag:s6] =	ssyncset.done $0x0  }
0x13: {  	[sflag:s6] =	ssyncadd.s32 $0xFFFFD780  }
0x14: {  	s11 =	simm.s32 $0x240;
	[bflag:$0x0] =	sbarrier.arrive $0xFFFF  }
0x15: {  	[spmem:s3] =	stream.indirect.scatter.add.f32 [tilespmem:s9], [sflag:$0x1], $0x10, s4, s11, $0xb8;
	[tilespmem:$0x7480] =	vst v63  }
0x16: {  	_ =	swait.ge [sflag:s6], $0x2400  }
0x17: {  	[sflag:s6] =	ssyncset.done $0x0  }
0x18: {  	[sflag:s6] =	ssyncadd.s32 $0xFFFFDC00  }
0x19: {  	[spmem:s3] =	stream.indirect.scatter.add.f32 [tilespmem:s9], [sflag:$0x1], $0x10, s11, s11, $0xb8;
	[tilespmem:$0x7480] =	vst v63  }
0x1a: {  	_ =	swait.ge [sflag:s6], $0x2400  }
0x1b: {  	[sflag:s6] =	ssyncset.done $0x0  }
0x1c: {  	s12 =	simm.s32 $0x480;
	[sflag:s6] =	ssyncadd.s32 $0xFFFFDC00  }
0x1d: {  	[spmem:s3] =	stream.indirect.scatter.add.f32 [tilespmem:s9], [sflag:$0x1], $0x10, s12, s11, $0xb8;
	[tilespmem:$0x7480] =	vst v63  }
0x1e: {  	_ =	swait.ge [sflag:s6], $0x2400  }
0x1f: {  	[sflag:s6] =	ssyncset.done $0x0  }
0x20: {  	s13 =	simm.s32 $0x6C0;
	[sflag:s6] =	ssyncadd.s32 $0xFFFFDC00  }
0x21: {  	[spmem:s3] =	stream.indirect.scatter.add.f32 [tilespmem:s9], [sflag:$0x1], $0x10, s13, s11, $0xb8;
	[tilespmem:$0x7480] =	vst v63  }
0x22: {  	_ =	swait.ge [sflag:s6], $0x2400  }
0x23: {  	[sflag:s6] =	ssyncset.done $0x0  }
0x24: {  	s14 =	simm.s32 $0x900;
	[sflag:s6] =	ssyncadd.s32 $0xFFFFDC00  }
0x25: {  	[spmem:s3] =	stream.indirect.scatter.add.f32 [tilespmem:s9], [sflag:$0x1], $0x10, s14, s11, $0xb8;
	[tilespmem:$0x7480] =	vst v63  }
0x26: {  	_ =	swait.ge [sflag:s6], $0x2400  }
0x27: {  	[sflag:s6] =	ssyncset.done $0x0  }
0x28: {  	s15 =	simm.s32 $0xB40;
	[sflag:s6] =	ssyncadd.s32 $0xFFFFDC00  }
0x29: {  	[spmem:s3] =	stream.indirect.scatter.add.f32 [tilespmem:s9], [sflag:$0x1], $0x10, s15, s11, $0xb8;
	[tilespmem:$0x7480] =	vst v63  }
0x2a: {  	_ =	swait.ge [sflag:s6], $0x2400  }
0x2b: {  	[sflag:s6] =	ssyncset.done $0x0  }
0x2c: {  	s16 =	simm.s32 $0xD80;
	[sflag:s6] =	ssyncadd.s32 $0xFFFFDC00  }
0x2d: {  	[spmem:s3] =	stream.indirect.scatter.add.f32 [tilespmem:s9], [sflag:$0x1], $0x10, s16, s11, $0xb8;
	[tilespmem:$0x7480] =	vst v63  }
0x2e: {  	_ =	swait.ge [sflag:s6], $0x2400  }
0x2f: {  	[sflag:s6] =	ssyncset.done $0x0  }
0x30: {  	s17 =	simm.s32 $0xFC0;
	[sflag:s6] =	ssyncadd.s32 $0xFFFFDC00  }
0x31: {  	[spmem:s3] =	stream.indirect.scatter.add.f32 [tilespmem:s9], [sflag:$0x1], $0x10, s17, s11, $0xb8;
	[tilespmem:$0x7480] =	vst v63  }
0x32: {  	_ =	swait.ge [sflag:s6], $0x2400  }
0x33: {  	[sflag:s6] =	ssyncset.done $0x0  }
0x34: {  	s18 =	simm.s32 $0x1200;
	[sflag:s6] =	ssyncadd.s32 $0xFFFFDC00  }
0x35: {  	[spmem:s3] =	stream.indirect.scatter.add.f32 [tilespmem:s9], [sflag:$0x1], $0x10, s18, s11, $0xb8;
	[tilespmem:$0x7480] =	vst v63  }
0x36: {  	_ =	swait.ge [sflag:s6], $0x2400  }
0x37: {  	[sflag:s6] =	ssyncset.done $0x0  }
0x38: {  	s19 =	simm.s32 $0x1440;
	[sflag:s6] =	ssyncadd.s32 $0xFFFFDC00  }
0x39: {  	[spmem:s3] =	stream.indirect.scatter.add.f32 [tilespmem:s9], [sflag:$0x1], $0x10, s19, s11, $0xb8;
	[tilespmem:$0x7480] =	vst v63  }
0x3a: {  	_ =	swait.ge [sflag:s6], $0x2400  }
0x3b: {  	[sflag:s6] =	ssyncset.done $0x0  }
0x3c: {  	s20 =	simm.s32 $0x1680;
	[sflag:s6] =	ssyncadd.s32 $0xFFFFDC00  }
0x3d: {  	[spmem:s3] =	stream.indirect.scatter.add.f32 [tilespmem:s9], [sflag:$0x1], $0x10, s20, s11, $0xb8;
	[tilespmem:$0x7480] =	vst v63  }
0x3e: {  	_ =	swait.ge [sflag:s6], $0x2400  }
0x3f: {  	[sflag:s6] =	ssyncset.done $0x0  }
0x40: {  	s21 =	simm.s32 $0x18C0;
	[sflag:s6] =	ssyncadd.s32 $0xFFFFDC00  }
0x41: {  	[spmem:s3] =	stream.indirect.scatter.add.f32 [tilespmem:s9], [sflag:$0x1], $0x10, s21, s11, $0xb8;
	[tilespmem:$0x7480] =	vst v63  }
0x42: {  	_ =	swait.ge [sflag:s6], $0x2400  }
0x43: {  	[sflag:s6] =	ssyncset.done $0x0  }
0x44: {  	s22 =	simm.s32 $0x1B00;
	[sflag:s6] =	ssyncadd.s32 $0xFFFFDC00  }
0x45: {  	[spmem:s3] =	stream.indirect.scatter.add.f32 [tilespmem:s9], [sflag:$0x1], $0x10, s22, s11, $0xb8;
	[tilespmem:$0x7480] =	vst v63  }
0x46: {  	_ =	swait.ge [sflag:s6], $0x2400  }
0x47: {  	[sflag:s6] =	ssyncset.done $0x0  }
0x48: {  	s23 =	simm.s32 $0x1D40;
	[sflag:s6] =	ssyncadd.s32 $0xFFFFDC00  }
0x49: {  	[spmem:s3] =	stream.indirect.scatter.add.f32 [tilespmem:s9], [sflag:$0x1], $0x10, s23, s11, $0xb8;
	[tilespmem:$0x7480] =	vst v63  }
0x4a: {  	_ =	swait.ge [sflag:s6], $0x2400  }
0x4b: {  	[sflag:s6] =	ssyncset.done $0x0  }
0x4c: {  	s24 =	simm.s32 $0x1F80;
	[sflag:s6] =	ssyncadd.s32 $0xFFFFDC00  }
0x4d: {  	[spmem:s3] =	stream.indirect.scatter.add.f32 [tilespmem:s9], [sflag:$0x1], $0x10, s24, s11, $0xb8;
	[tilespmem:$0x7480] =	vst v63  }
0x4e: {  	_ =	swait.ge [sflag:s6], $0x2400  }
0x4f: {  	[sflag:s6] =	ssyncset.done $0x0  }
0x50: {  	s25 =	simm.s32 $0x21C0;
	[sflag:s6] =	ssyncadd.s32 $0xFFFFDC00  }
0x51: {  	[spmem:s3] =	stream.indirect.scatter.add.f32 [tilespmem:s9], [sflag:$0x1], $0x10, s25, s11, $0xb8;
	[tilespmem:$0x7480] =	vst v63  }
0x52: {  	_ =	swait.ge [sflag:s6], $0x2400  }
0x53: {  	[sflag:s6] =	ssyncset.done $0x0  }
0x54: {  	s26 =	simm.s32 $0x2400;
	[sflag:s6] =	ssyncadd.s32 $0xFFFFDC00  }
0x55: {  	[spmem:s3] =	stream.indirect.scatter.add.f32 [tilespmem:s9], [sflag:$0x1], $0x10, s26, s11, $0xb8;
	[tilespmem:$0x7480] =	vst v63  }
0x56: {  	s0 =	ssub.s32 $0x2, s28;
	_ =	swait.ge [sflag:s6], $0x2400  }
0x57: {  	s31 =	smul.u32 $0x5000, s28;
	s1 =	sshrl.u32 s0, $0x1;
	[sflag:s6] =	ssyncset.done $0x0  }
0x58: {  	s28 =	simm.s32 $0x2640;
	s0 =	ssub.s32 s0, s1;
	[sflag:s6] =	ssyncadd.s32 $0xFFFFDC00  }
0x59: {  	[spmem:s3] =	stream.indirect.scatter.add.f32 [tilespmem:s9], [sflag:$0x1], $0x10, s28, s11, $0xb8;
	[tilespmem:$0x7480] =	vst v63  }
0x5a: {  	s29 =	sadd.s32 s31, s29;
	s0 =	smax.u32 s0, $0x1;
	_ =	swait.ge [sflag:s6], $0x2400  }
0x5b: {  	s31 =	sadd.s32 $0x52600, s29;
	p0 =	sne.s32 s0, $0x1;
	[sflag:s6] =	ssyncset.done $0x0  }
.Ltmp0:
0x5c: {  	s29 =	sshrl.u32 s30, $0x3;
	[sflag:s6] =	ssyncadd.s32 $0xFFFFDC00;
	(pc) =	sbr.rel @!p0 .LBB2_2-.Ltmp0, $4  }
0x5d: {  	s29 =	sadd.s32 s29, s31;
	[bflag:$0x0] =	sbarrier.arrive $0xFFFF  }
0x5e: {  	[hbm:s29], [sflag:s5] =	dma.local [spmem:s7], $0x500  }
0x5f: {  	_ =	swait.ge [sflag:s6], $0x500  }
0x60: {  	s30 =	sadd.s32 $0xFFFFFFFF, s0;
	[sflag:s6] =	ssyncset.done $0x0  }
.LBB2_1:
0x61: {  	p0 =	sne.s32 s30, $0x1;
	s30 =	sadd.s32 $0xFFFFFFFF, s30;
	[sflag:s6] =	ssyncadd.s32 $0xFFFFFB00  }
0x62: {  	[spmem:s7], [sflag:s5] =	dma.local [hbm:s2], $0x500  }
0x63: {  	_ =	swait.ge [sflag:s6], $0x500  }
0x64: {  	[sflag:s6] =	ssyncset.done $0x0  }
0x65: {  	[sflag:s6] =	ssyncadd.s32 $0xFFFFFB00  }
0x66: {  	[tilespmem:s9], [sflag:$0x1] =	stream.linear.gather [hbm4b:s8+s4], $0x2400, $0x38;
	[tilespmem:$0x7480] =	vst v63  }
0x67: {  	_ =	swait.ge [sflag:s6], $0x2400  }
0x68: {  	[sflag:s6] =	ssyncset.done $0x0  }
0x69: {  	[sflag:s6] =	ssyncadd.s32 $0xFFFFDC00  }
0x6a: {  	[tilespmem:s4], [sflag:$0x1] =	stream.linear.gather [hbm4b:s10+s4], $0x2880, $0x38;
	[tilespmem:$0x7480] =	vst v63  }
0x6b: {  	_ =	swait.ge [sflag:s6], $0x2880  }
0x6c: {  	[sflag:s6] =	ssyncset.done $0x0  }
0x6d: {  	[sflag:s6] =	ssyncadd.s32 $0xFFFFD780  }
0x6e: {  	[bflag:$0x0] =	sbarrier.arrive $0xFFFF  }
0x6f: {  	[spmem:s3] =	stream.indirect.scatter.add.f32 [tilespmem:s9], [sflag:$0x1], $0x10, s4, s11, $0xb8;
	[tilespmem:$0x7480] =	vst v63  }
0x70: {  	_ =	swait.ge [sflag:s6], $0x2400  }
0x71: {  	[sflag:s6] =	ssyncset.done $0x0  }
0x72: {  	[sflag:s6] =	ssyncadd.s32 $0xFFFFDC00  }
0x73: {  	[spmem:s3] =	stream.indirect.scatter.add.f32 [tilespmem:s9], [sflag:$0x1], $0x10, s11, s11, $0xb8;
	[tilespmem:$0x7480] =	vst v63  }
0x74: {  	_ =	swait.ge [sflag:s6], $0x2400  }
0x75: {  	[sflag:s6] =	ssyncset.done $0x0  }
0x76: {  	[sflag:s6] =	ssyncadd.s32 $0xFFFFDC00  }
0x77: {  	[spmem:s3] =	stream.indirect.scatter.add.f32 [tilespmem:s9], [sflag:$0x1], $0x10, s12, s11, $0xb8;
	[tilespmem:$0x7480] =	vst v63  }
0x78: {  	_ =	swait.ge [sflag:s6], $0x2400  }
0x79: {  	[sflag:s6] =	ssyncset.done $0x0  }
0x7a: {  	[sflag:s6] =	ssyncadd.s32 $0xFFFFDC00  }
0x7b: {  	[spmem:s3] =	stream.indirect.scatter.add.f32 [tilespmem:s9], [sflag:$0x1], $0x10, s13, s11, $0xb8;
	[tilespmem:$0x7480] =	vst v63  }
0x7c: {  	_ =	swait.ge [sflag:s6], $0x2400  }
0x7d: {  	[sflag:s6] =	ssyncset.done $0x0  }
0x7e: {  	[sflag:s6] =	ssyncadd.s32 $0xFFFFDC00  }
0x7f: {  	[spmem:s3] =	stream.indirect.scatter.add.f32 [tilespmem:s9], [sflag:$0x1], $0x10, s14, s11, $0xb8;
	[tilespmem:$0x7480] =	vst v63  }
0x80: {  	_ =	swait.ge [sflag:s6], $0x2400  }
0x81: {  	[sflag:s6] =	ssyncset.done $0x0  }
0x82: {  	[sflag:s6] =	ssyncadd.s32 $0xFFFFDC00  }
0x83: {  	[spmem:s3] =	stream.indirect.scatter.add.f32 [tilespmem:s9], [sflag:$0x1], $0x10, s15, s11, $0xb8;
	[tilespmem:$0x7480] =	vst v63  }
0x84: {  	_ =	swait.ge [sflag:s6], $0x2400  }
0x85: {  	[sflag:s6] =	ssyncset.done $0x0  }
0x86: {  	[sflag:s6] =	ssyncadd.s32 $0xFFFFDC00  }
0x87: {  	[spmem:s3] =	stream.indirect.scatter.add.f32 [tilespmem:s9], [sflag:$0x1], $0x10, s16, s11, $0xb8;
	[tilespmem:$0x7480] =	vst v63  }
0x88: {  	_ =	swait.ge [sflag:s6], $0x2400  }
0x89: {  	[sflag:s6] =	ssyncset.done $0x0  }
0x8a: {  	[sflag:s6] =	ssyncadd.s32 $0xFFFFDC00  }
0x8b: {  	[spmem:s3] =	stream.indirect.scatter.add.f32 [tilespmem:s9], [sflag:$0x1], $0x10, s17, s11, $0xb8;
	[tilespmem:$0x7480] =	vst v63  }
0x8c: {  	_ =	swait.ge [sflag:s6], $0x2400  }
0x8d: {  	[sflag:s6] =	ssyncset.done $0x0  }
0x8e: {  	[sflag:s6] =	ssyncadd.s32 $0xFFFFDC00  }
0x8f: {  	[spmem:s3] =	stream.indirect.scatter.add.f32 [tilespmem:s9], [sflag:$0x1], $0x10, s18, s11, $0xb8;
	[tilespmem:$0x7480] =	vst v63  }
0x90: {  	_ =	swait.ge [sflag:s6], $0x2400  }
0x91: {  	[sflag:s6] =	ssyncset.done $0x0  }
0x92: {  	[sflag:s6] =	ssyncadd.s32 $0xFFFFDC00  }
0x93: {  	[spmem:s3] =	stream.indirect.scatter.add.f32 [tilespmem:s9], [sflag:$0x1], $0x10, s19, s11, $0xb8;
	[tilespmem:$0x7480] =	vst v63  }
0x94: {  	_ =	swait.ge [sflag:s6], $0x2400  }
0x95: {  	[sflag:s6] =	ssyncset.done $0x0  }
0x96: {  	[sflag:s6] =	ssyncadd.s32 $0xFFFFDC00  }
0x97: {  	[spmem:s3] =	stream.indirect.scatter.add.f32 [tilespmem:s9], [sflag:$0x1], $0x10, s20, s11, $0xb8;
	[tilespmem:$0x7480] =	vst v63  }
0x98: {  	_ =	swait.ge [sflag:s6], $0x2400  }
0x99: {  	[sflag:s6] =	ssyncset.done $0x0  }
0x9a: {  	[sflag:s6] =	ssyncadd.s32 $0xFFFFDC00  }
0x9b: {  	[spmem:s3] =	stream.indirect.scatter.add.f32 [tilespmem:s9], [sflag:$0x1], $0x10, s21, s11, $0xb8;
	[tilespmem:$0x7480] =	vst v63  }
0x9c: {  	_ =	swait.ge [sflag:s6], $0x2400  }
0x9d: {  	[sflag:s6] =	ssyncset.done $0x0  }
0x9e: {  	[sflag:s6] =	ssyncadd.s32 $0xFFFFDC00  }
0x9f: {  	[spmem:s3] =	stream.indirect.scatter.add.f32 [tilespmem:s9], [sflag:$0x1], $0x10, s22, s11, $0xb8;
	[tilespmem:$0x7480] =	vst v63  }
0xa0: {  	_ =	swait.ge [sflag:s6], $0x2400  }
0xa1: {  	[sflag:s6] =	ssyncset.done $0x0  }
0xa2: {  	[sflag:s6] =	ssyncadd.s32 $0xFFFFDC00  }
0xa3: {  	[spmem:s3] =	stream.indirect.scatter.add.f32 [tilespmem:s9], [sflag:$0x1], $0x10, s23, s11, $0xb8;
	[tilespmem:$0x7480] =	vst v63  }
0xa4: {  	_ =	swait.ge [sflag:s6], $0x2400  }
0xa5: {  	[sflag:s6] =	ssyncset.done $0x0  }
0xa6: {  	[sflag:s6] =	ssyncadd.s32 $0xFFFFDC00  }
0xa7: {  	[spmem:s3] =	stream.indirect.scatter.add.f32 [tilespmem:s9], [sflag:$0x1], $0x10, s24, s11, $0xb8;
	[tilespmem:$0x7480] =	vst v63  }
0xa8: {  	_ =	swait.ge [sflag:s6], $0x2400  }
0xa9: {  	[sflag:s6] =	ssyncset.done $0x0  }
0xaa: {  	[sflag:s6] =	ssyncadd.s32 $0xFFFFDC00  }
0xab: {  	[spmem:s3] =	stream.indirect.scatter.add.f32 [tilespmem:s9], [sflag:$0x1], $0x10, s25, s11, $0xb8;
	[tilespmem:$0x7480] =	vst v63  }
0xac: {  	_ =	swait.ge [sflag:s6], $0x2400  }
0xad: {  	[sflag:s6] =	ssyncset.done $0x0  }
0xae: {  	[sflag:s6] =	ssyncadd.s32 $0xFFFFDC00  }
0xaf: {  	[spmem:s3] =	stream.indirect.scatter.add.f32 [tilespmem:s9], [sflag:$0x1], $0x10, s26, s11, $0xb8;
	[tilespmem:$0x7480] =	vst v63  }
0xb0: {  	_ =	swait.ge [sflag:s6], $0x2400  }
0xb1: {  	[sflag:s6] =	ssyncset.done $0x0  }
0xb2: {  	[sflag:s6] =	ssyncadd.s32 $0xFFFFDC00  }
0xb3: {  	[spmem:s3] =	stream.indirect.scatter.add.f32 [tilespmem:s9], [sflag:$0x1], $0x10, s28, s11, $0xb8;
	[tilespmem:$0x7480] =	vst v63  }
0xb4: {  	_ =	swait.ge [sflag:s6], $0x2400  }
0xb5: {  	[sflag:s6] =	ssyncset.done $0x0  }
.Ltmp1:
0xb6: {  	[sflag:s6] =	ssyncadd.s32 $0xFFFFDC00;
	(pc) =	sbr.rel @p0 .LBB2_1-.Ltmp1, $4  }
0xb7: {  	[bflag:$0x0] =	sbarrier.arrive $0xFFFF  }
0xb8: {  	[hbm:s29], [sflag:s5] =	dma.local [spmem:s7], $0x500  }
0xb9: {  	_ =	swait.ge [sflag:s6], $0x500  }
0xba: {  	[sflag:s6] =	ssyncset.done $0x0  }
.LBB2_2:
0xbb: {  	[sflag:s6] =	ssyncadd.s32 $0xFFFFFB00  }
0xbc: {  	_ =	sfence.sel $0x180000  }
0xbd: {  	[bflag:$0x0] =	sbarrier.arrive $0xFFFF  }
0xbe: {  	_ =	strace $0x9000004A  }
0xbf: {  	s0 =	stileid.u32;
	[bflag:$0x2] =	sbarrier.arrive $0xFFFF  }
0xc0: {  	p0 =	sne.s32 s0, $0x0;
	s0 =	rddreg [dreg:$0x3]  }
0xc1: {  	s0 =	sadd.s32 @!p0 $0x100000, s0  }
0xc2: {  	[sflag:s0] =	ssyncadd.tile.s32 @!p0 $0x1;
	_ =	shalt  }
.Lfunc_end2:
_tile_overlayer_lowered:
.L_overlay_start_2:
0xc3: {  	(tag) =	ssettag $0x2  }
0xc4: {  	s0 =	rddreg [dreg:$0x0];
	s2 =	stileid.u32  }
0xc5: {  	s1 =	rddreg [dreg:$0x1];
	p0 =	sne.s32 s2, $0x0  }
0xc6: {  	s3 =	rddreg [dreg:$0x2];
	[bflag:$0x3] =	sbarrier.arrive $0xFFFF;
	s2 =	simm.s32 @!p0 $0x1C01  }
0xc7: {  	[timem:s3], [sflag:s2] =	dma.local @!p0 [hbm:s0], s1  }
0xc8: {  	s0 =	simm.s32 @!p0 $0x1  }
0xc9: {  	_ =	swait.ge @!p0 [sflag:s0], s1  }
0xca: {  	s1 =	ssub.s32 @!p0 $0x0, s1;
	[sflag:s0] =	ssyncset.done @!p0 $0x0  }
0xcb: {  	[sflag:s0] =	ssyncadd.s32 @!p0 s1  }
0xcc: {  	[bflag:$0x3] =	sbarrier.arrive $0xFFFF  }
0xcd: {  	_ =	shalt  }

</sc_bundles>
